<compile_context>
chip_gen: v7x
topology: tpu7x:2x2x1
jax: 0.10.2.dev20260603
libtpu: 0.0.44.dev20260713+nightly
codegen_flags: <defaults>
</compile_context>

<pallas_src>
import math

import jax
import jax.numpy as jnp
from jax import lax
from jax.experimental import pallas as pl
from jax.experimental.pallas import tpu as pltpu
from jax.experimental.pallas import tpu_sc as plsc

VOCAB = 1000000
D_MODEL = 64
SCALE = math.sqrt(D_MODEL)

NUM_CORES = 2
NUM_SUBCORES = 16
NW = NUM_CORES * NUM_SUBCORES
LANES = 16

NJ = 200
NS = 4096
SBLK = NS // NW
PAIRW = 2 * D_MODEL

NSLOT = 4
NST = 2


def _emb_body(xT_hbm, tab2_hbm, out_hbm, idx_v, idx2, rows, st, gsem, wsem):
    wid = lax.axis_index("s") * NUM_CORES + lax.axis_index("c")
    s0 = wid * SBLK

    def prep_and_fire(j, slot):
        for k in range(SBLK // LANES):
            sl = pl.ds(k * LANES, LANES)
            idx2[slot, sl] = lax.shift_right_logical(idx_v[j, sl], 1)
        pltpu.async_copy(tab2_hbm.at[idx2.at[slot]], rows.at[slot],
                         gsem.at[slot])

    def wait_gather(slot):
        pltpu.make_async_copy(tab2_hbm.at[idx2.at[slot]], rows.at[slot],
                              gsem.at[slot]).wait()

    def fire_write(p, j):
        pltpu.async_copy(st.at[p], out_hbm.at[j, :, pl.ds(s0, SBLK)],
                         wsem.at[p])

    def wait_write(p, j):
        pltpu.make_async_copy(st.at[p], out_hbm.at[j, :, pl.ds(s0, SBLK)],
                              wsem.at[p]).wait()

    pltpu.sync_copy(xT_hbm.at[:, pl.ds(s0, SBLK)], idx_v)
    for jj in range(NSLOT):
        prep_and_fire(jj, jj)

    @pl.loop(0, NJ)
    def _j(j):
        slot = lax.rem(j, NSLOT)
        p = lax.rem(j, NST)
        wait_gather(slot)

        @pl.when(j >= NST)
        def _drain():
            wait_write(p, j - NST)

        slot_v = jnp.full((16,), slot, dtype=jnp.int32)
        pars = [
            lax.shift_left(
                jnp.bitwise_and(idx_v[j, pl.ds(k * LANES, LANES)], 1), 6)
            for k in range(SBLK // LANES)
        ]

        @plsc.parallel_loop(0, D_MODEL, unroll=8)
        def _d(d):
            dv = jnp.full((16,), d, dtype=jnp.int32)
            for k in range(SBLK // LANES):
                rids = lax.iota(jnp.int32, 16) + (k * LANES)
                v = plsc.load_gather(rows, [slot_v, rids, pars[k] + dv])
                st[p, d, pl.ds(k * LANES, LANES)] = v * SCALE

        fire_write(p, j)

        @pl.when(j + NSLOT < NJ)
        def _refill():
            prep_and_fire(j + NSLOT, slot)

    wait_write(0, NJ - 2)
    wait_write(1, NJ - 1)


@jax.jit
def _emb_call(xT, tab2):
    mesh = plsc.VectorSubcoreMesh(core_axis_name="c", subcore_axis_name="s")
    return pl.kernel(
        _emb_body,
        out_type=jax.ShapeDtypeStruct((NJ, D_MODEL, NS), jnp.float32),
        mesh=mesh,
        scratch_types=[
            pltpu.VMEM((NJ, SBLK), jnp.int32),
            pltpu.VMEM((NSLOT, SBLK), jnp.int32),
            pltpu.VMEM((NSLOT, SBLK, PAIRW), jnp.float32),
            pltpu.VMEM((NST, D_MODEL, SBLK), jnp.float32),
            pltpu.SemaphoreType.DMA((NSLOT,)),
            pltpu.SemaphoreType.DMA((NST,)),
        ],
        compiler_params=pltpu.CompilerParams(
            use_tc_tiling_on_sc=True, needs_layout_passes=False),
    )(xT, tab2)


def kernel(x, table):
    out3 = _emb_call(x.T.astype(jnp.int32),
                     table.reshape(VOCAB // 2, PAIRW))
    return out3.transpose(2, 0, 1)

# --- scband reference (transcript-rebuilt; emitter-appended) ---
"""Pipeline reference for scband-token-embedding-37761352466663 (READ-ONLY COPY).

The authoritative reference and input builder live on the scoring server;
editing this copy changes nothing except your own understanding.
"""

import math
import jax, jax.numpy as jnp
import numpy as np

VOCAB = 1000000
D_MODEL = 64
PAD_IDX = 1

def setup_inputs(seed: int = 0) -> dict:
    key = jax.random.key(seed)
    k1, k2 = jax.random.split(key)
    x = jax.random.randint(k1, (4096, 200), 0, VOCAB, dtype=jnp.int64 if jax.config.jax_enable_x64 else jnp.int32)
    table = jax.random.normal(k2, (VOCAB, D_MODEL), dtype=jnp.float32)
    # padding_idx row is zero, matching nn.Embedding(padding_idx=...)
    table = table.at[PAD_IDX].set(0.0)
    return {"x": x, "table": table}

def reference(x, table):
    # emb(x) * sqrt(d_model)
    emb = jnp.take(table, x, axis=0)
    return emb * math.sqrt(D_MODEL)

if __name__ == "__main__":
    import jax
    _d = setup_inputs()
    print(jax.jit(kernel)(*tuple(_d.values())))

</pallas_src>

<mosaic_0001>
#map = affine_map<(d0, d1) -> (0, 0)>
#map1 = affine_map<(d0, d1) -> (0, 0, 0)>
module attributes {stable_mosaic.version = 14 : i64} {
  func.func @_emb_body(%arg0: i32, %arg1: i32, %arg2: memref<200x4096xi32, #tpu.memory_space<hbm>>, %arg3: memref<500000x128xf32, #tpu.memory_space<hbm>>, %arg4: memref<200x64x4096xf32, #tpu.memory_space<hbm>>, %arg5: memref<200x128xi32, #tpu.memory_space<vmem>>, %arg6: memref<4x128xi32, #tpu.memory_space<vmem>>, %arg7: memref<4x128x128xf32, #tpu.memory_space<vmem>>, %arg8: memref<2x64x128xf32, #tpu.memory_space<vmem>>, %arg9: memref<4x!tpu.dma_semaphore, #tpu.memory_space<semaphore_mem>>, %arg10: memref<2x!tpu.dma_semaphore, #tpu.memory_space<semaphore_mem>>) attributes {dimension_semantics = [#tpu.dimension_semantics<core_parallel>, #tpu.dimension_semantics<subcore_parallel>], iteration_bounds = array<i64: 2, 16>, scalar_prefetch = 0 : i64, scratch_operands = 6 : i64, tpu.core_type = #tpu.core_type<sc_vector_subcore>, window_params = [{transform_indices = #map}, {transform_indices = #map}, {transform_indices = #map1}]} {
    %mul3A = arith.constant 2 : i32
    %mul3A_0 = arith.muli %arg1, %mul3A : i32
    %add3A = arith.addi %mul3A_0, %arg0 : i32
    %mul3A_1 = arith.constant 128 : i32
    %mul3A_2 = arith.muli %add3A, %mul3A_1 : i32
    "tpu.region"() ({
      %run_scoped3A = tpu.sem_alloc : memref<!tpu.dma_semaphore, #tpu.memory_space<semaphore_mem>>
      %dma_start3A_452 = arith.constant 0 : i32
      %dma_start3A_453 = tpu.memref_slice %arg2[%dma_start3A_452, %mul3A_2] : memref<200x4096xi32, #tpu.memory_space<hbm>> -> memref<200x128xi32, #tpu.memory_space<hbm>>
      %dma_start3A_454 = arith.constant 0 : i32
      %dma_start3A_455 = tpu.memref_slice %arg2[%dma_start3A_454, %mul3A_2] : memref<200x4096xi32, #tpu.memory_space<hbm>> -> memref<200x128xi32, #tpu.memory_space<hbm>>
      tpu.enqueue_dma source(%dma_start3A_455 : memref<200x128xi32, #tpu.memory_space<hbm>>) target(%arg5 : memref<200x128xi32, #tpu.memory_space<vmem>>) target_semaphore(%run_scoped3A : memref<!tpu.dma_semaphore, #tpu.memory_space<semaphore_mem>>)
      %dma_wait3A_456 = arith.constant 0 : i32
      %dma_wait3A_457 = tpu.memref_slice %arg2[%dma_wait3A_456, %mul3A_2] : memref<200x4096xi32, #tpu.memory_space<hbm>> -> memref<200x128xi32, #tpu.memory_space<hbm>>
      %dma_wait3A_458 = arith.constant 0 : i32
      %dma_wait3A_459 = tpu.memref_slice %arg2[%dma_wait3A_458, %mul3A_2] : memref<200x4096xi32, #tpu.memory_space<hbm>> -> memref<200x128xi32, #tpu.memory_space<hbm>>
      tpu.wait_dma2 semaphore(%run_scoped3A : memref<!tpu.dma_semaphore, #tpu.memory_space<semaphore_mem>>) src(%dma_wait3A_459 : memref<200x128xi32, #tpu.memory_space<hbm>>) dst(%arg5 : memref<200x128xi32, #tpu.memory_space<vmem>>)
      tpu.yield
    }) : () -> ()
    %get3A = arith.constant 0 : i32
    %get3A_3 = arith.index_cast %get3A : i32 to index
    %get3A_4 = arith.constant 0 : index
    %get3A_5 = tpu.vector_load %arg5[%get3A_3, %get3A_4] {strides = array<i32>} : memref<200x128xi32, #tpu.memory_space<vmem>>, vector<16xi32>,
    %shift_right_logical3A = arith.constant 1 : i32
    %shift_right_logical3A_6 = vector.broadcast %shift_right_logical3A : i32 to vector<16xi32>
    %shift_right_logical3A_7 = arith.shrui %get3A_5, %shift_right_logical3A_6 : vector<16xi32>
    %swap3A = arith.constant 0 : i32
    %swap3A_8 = arith.index_cast %swap3A : i32 to index
    %swap3A_9 = arith.constant 0 : index
    %swap3A_10 = tpu.vector_load %arg6[%swap3A_8, %swap3A_9] {strides = array<i32>} : memref<4x128xi32, #tpu.memory_space<vmem>>, vector<16xi32>,
    tpu.vector_store %arg6[%swap3A_8, %swap3A_9], %shift_right_logical3A_7 {strides = array<i32>} : memref<4x128xi32, #tpu.memory_space<vmem>>, vector<16xi32>,
    %get3A_11 = arith.constant 0 : i32
    %get3A_12 = arith.index_cast %get3A_11 : i32 to index
    %get3A_13 = arith.constant 16 : index
    %get3A_14 = tpu.vector_load %arg5[%get3A_12, %get3A_13] {strides = array<i32>} : memref<200x128xi32, #tpu.memory_space<vmem>>, vector<16xi32>,
    %shift_right_logical3A_15 = arith.constant 1 : i32
    %shift_right_logical3A_16 = vector.broadcast %shift_right_logical3A_15 : i32 to vector<16xi32>
    %shift_right_logical3A_17 = arith.shrui %get3A_14, %shift_right_logical3A_16 : vector<16xi32>
    %swap3A_18 = arith.constant 0 : i32
    %swap3A_19 = arith.index_cast %swap3A_18 : i32 to index
    %swap3A_20 = arith.constant 16 : index
    %swap3A_21 = tpu.vector_load %arg6[%swap3A_19, %swap3A_20] {strides = array<i32>} : memref<4x128xi32, #tpu.memory_space<vmem>>, vector<16xi32>,
    tpu.vector_store %arg6[%swap3A_19, %swap3A_20], %shift_right_logical3A_17 {strides = array<i32>} : memref<4x128xi32, #tpu.memory_space<vmem>>, vector<16xi32>,
    %get3A_22 = arith.constant 0 : i32
    %get3A_23 = arith.index_cast %get3A_22 : i32 to index
    %get3A_24 = arith.constant 32 : index
    %get3A_25 = tpu.vector_load %arg5[%get3A_23, %get3A_24] {strides = array<i32>} : memref<200x128xi32, #tpu.memory_space<vmem>>, vector<16xi32>,
    %shift_right_logical3A_26 = arith.constant 1 : i32
    %shift_right_logical3A_27 = vector.broadcast %shift_right_logical3A_26 : i32 to vector<16xi32>
    %shift_right_logical3A_28 = arith.shrui %get3A_25, %shift_right_logical3A_27 : vector<16xi32>
    %swap3A_29 = arith.constant 0 : i32
    %swap3A_30 = arith.index_cast %swap3A_29 : i32 to index
    %swap3A_31 = arith.constant 32 : index
    %swap3A_32 = tpu.vector_load %arg6[%swap3A_30, %swap3A_31] {strides = array<i32>} : memref<4x128xi32, #tpu.memory_space<vmem>>, vector<16xi32>,
    tpu.vector_store %arg6[%swap3A_30, %swap3A_31], %shift_right_logical3A_28 {strides = array<i32>} : memref<4x128xi32, #tpu.memory_space<vmem>>, vector<16xi32>,
    %get3A_33 = arith.constant 0 : i32
    %get3A_34 = arith.index_cast %get3A_33 : i32 to index
    %get3A_35 = arith.constant 48 : index
    %get3A_36 = tpu.vector_load %arg5[%get3A_34, %get3A_35] {strides = array<i32>} : memref<200x128xi32, #tpu.memory_space<vmem>>, vector<16xi32>,
    %shift_right_logical3A_37 = arith.constant 1 : i32
    %shift_right_logical3A_38 = vector.broadcast %shift_right_logical3A_37 : i32 to vector<16xi32>
    %shift_right_logical3A_39 = arith.shrui %get3A_36, %shift_right_logical3A_38 : vector<16xi32>
    %swap3A_40 = arith.constant 0 : i32
    %swap3A_41 = arith.index_cast %swap3A_40 : i32 to index
    %swap3A_42 = arith.constant 48 : index
    %swap3A_43 = tpu.vector_load %arg6[%swap3A_41, %swap3A_42] {strides = array<i32>} : memref<4x128xi32, #tpu.memory_space<vmem>>, vector<16xi32>,
    tpu.vector_store %arg6[%swap3A_41, %swap3A_42], %shift_right_logical3A_39 {strides = array<i32>} : memref<4x128xi32, #tpu.memory_space<vmem>>, vector<16xi32>,
    %get3A_44 = arith.constant 0 : i32
    %get3A_45 = arith.index_cast %get3A_44 : i32 to index
    %get3A_46 = arith.constant 64 : index
    %get3A_47 = tpu.vector_load %arg5[%get3A_45, %get3A_46] {strides = array<i32>} : memref<200x128xi32, #tpu.memory_space<vmem>>, vector<16xi32>,
    %shift_right_logical3A_48 = arith.constant 1 : i32
    %shift_right_logical3A_49 = vector.broadcast %shift_right_logical3A_48 : i32 to vector<16xi32>
    %shift_right_logical3A_50 = arith.shrui %get3A_47, %shift_right_logical3A_49 : vector<16xi32>
    %swap3A_51 = arith.constant 0 : i32
    %swap3A_52 = arith.index_cast %swap3A_51 : i32 to index
    %swap3A_53 = arith.constant 64 : index
    %swap3A_54 = tpu.vector_load %arg6[%swap3A_52, %swap3A_53] {strides = array<i32>} : memref<4x128xi32, #tpu.memory_space<vmem>>, vector<16xi32>,
    tpu.vector_store %arg6[%swap3A_52, %swap3A_53], %shift_right_logical3A_50 {strides = array<i32>} : memref<4x128xi32, #tpu.memory_space<vmem>>, vector<16xi32>,
    %get3A_55 = arith.constant 0 : i32
    %get3A_56 = arith.index_cast %get3A_55 : i32 to index
    %get3A_57 = arith.constant 80 : index
    %get3A_58 = tpu.vector_load %arg5[%get3A_56, %get3A_57] {strides = array<i32>} : memref<200x128xi32, #tpu.memory_space<vmem>>, vector<16xi32>,
    %shift_right_logical3A_59 = arith.constant 1 : i32
    %shift_right_logical3A_60 = vector.broadcast %shift_right_logical3A_59 : i32 to vector<16xi32>
    %shift_right_logical3A_61 = arith.shrui %get3A_58, %shift_right_logical3A_60 : vector<16xi32>
    %swap3A_62 = arith.constant 0 : i32
    %swap3A_63 = arith.index_cast %swap3A_62 : i32 to index
    %swap3A_64 = arith.constant 80 : index
    %swap3A_65 = tpu.vector_load %arg6[%swap3A_63, %swap3A_64] {strides = array<i32>} : memref<4x128xi32, #tpu.memory_space<vmem>>, vector<16xi32>,
    tpu.vector_store %arg6[%swap3A_63, %swap3A_64], %shift_right_logical3A_61 {strides = array<i32>} : memref<4x128xi32, #tpu.memory_space<vmem>>, vector<16xi32>,
    %get3A_66 = arith.constant 0 : i32
    %get3A_67 = arith.index_cast %get3A_66 : i32 to index
    %get3A_68 = arith.constant 96 : index
    %get3A_69 = tpu.vector_load %arg5[%get3A_67, %get3A_68] {strides = array<i32>} : memref<200x128xi32, #tpu.memory_space<vmem>>, vector<16xi32>,
    %shift_right_logical3A_70 = arith.constant 1 : i32
    %shift_right_logical3A_71 = vector.broadcast %shift_right_logical3A_70 : i32 to vector<16xi32>
    %shift_right_logical3A_72 = arith.shrui %get3A_69, %shift_right_logical3A_71 : vector<16xi32>
    %swap3A_73 = arith.constant 0 : i32
    %swap3A_74 = arith.index_cast %swap3A_73 : i32 to index
    %swap3A_75 = arith.constant 96 : index
    %swap3A_76 = tpu.vector_load %arg6[%swap3A_74, %swap3A_75] {strides = array<i32>} : memref<4x128xi32, #tpu.memory_space<vmem>>, vector<16xi32>,
    tpu.vector_store %arg6[%swap3A_74, %swap3A_75], %shift_right_logical3A_72 {strides = array<i32>} : memref<4x128xi32, #tpu.memory_space<vmem>>, vector<16xi32>,
    %get3A_77 = arith.constant 0 : i32
    %get3A_78 = arith.index_cast %get3A_77 : i32 to index
    %get3A_79 = arith.constant 112 : index
    %get3A_80 = tpu.vector_load %arg5[%get3A_78, %get3A_79] {strides = array<i32>} : memref<200x128xi32, #tpu.memory_space<vmem>>, vector<16xi32>,
    %shift_right_logical3A_81 = arith.constant 1 : i32
    %shift_right_logical3A_82 = vector.broadcast %shift_right_logical3A_81 : i32 to vector<16xi32>
    %shift_right_logical3A_83 = arith.shrui %get3A_80, %shift_right_logical3A_82 : vector<16xi32>
    %swap3A_84 = arith.constant 0 : i32
    %swap3A_85 = arith.index_cast %swap3A_84 : i32 to index
    %swap3A_86 = arith.constant 112 : index
    %swap3A_87 = tpu.vector_load %arg6[%swap3A_85, %swap3A_86] {strides = array<i32>} : memref<4x128xi32, #tpu.memory_space<vmem>>, vector<16xi32>,
    tpu.vector_store %arg6[%swap3A_85, %swap3A_86], %shift_right_logical3A_83 {strides = array<i32>} : memref<4x128xi32, #tpu.memory_space<vmem>>, vector<16xi32>,
    %dma_start3A = arith.constant 0 : i32
    %dma_start3A_88 = arith.constant 0 : i32
    %dma_start3A_89 = arith.constant 0 : i32
    %dma_start3A_90 = arith.constant 0 : i32
    %dma_start3A_91 = arith.constant 0 : i32
    %dma_start3A_92 = tpu.memref_slice %arg7[%dma_start3A_88, %dma_start3A_90, %dma_start3A_91] : memref<4x128x128xf32, #tpu.memory_space<vmem>> -> memref<1x128x128xf32, #tpu.memory_space<vmem>>
    %dma_start3A_93 = tpu.memref_squeeze %dma_start3A_92 : memref<1x128x128xf32, #tpu.memory_space<vmem>> -> memref<128x128xf32, #tpu.memory_space<vmem>>
    %dma_start3A_94 = arith.constant 0 : i32
    %dma_start3A_95 = tpu.memref_slice %arg6[%dma_start3A, %dma_start3A_94] : memref<4x128xi32, #tpu.memory_space<vmem>> -> memref<1x128xi32, #tpu.memory_space<vmem>>
    %dma_start3A_96 = tpu.memref_squeeze %dma_start3A_95 : memref<1x128xi32, #tpu.memory_space<vmem>> -> memref<128xi32, #tpu.memory_space<vmem>>
    %dma_start3A_97 = arith.constant 0 : i32
    %dma_start3A_98 = arith.constant 0 : i32
    %dma_start3A_99 = tpu.memref_slice %arg3[%dma_start3A_97, %dma_start3A_98] : memref<500000x128xf32, #tpu.memory_space<hbm>> -> memref<500000x128xf32, #tpu.memory_space<hbm>>
    %dma_start3A_100 = tpu.memref_slice %arg9[%dma_start3A_89] : memref<4x!tpu.dma_semaphore, #tpu.memory_space<semaphore_mem>> -> memref<1x!tpu.dma_semaphore, #tpu.memory_space<semaphore_mem>>
    %dma_start3A_101 = tpu.memref_squeeze %dma_start3A_100 : memref<1x!tpu.dma_semaphore, #tpu.memory_space<semaphore_mem>> -> memref<!tpu.dma_semaphore, #tpu.memory_space<semaphore_mem>>
    tpu.enqueue_indirect_dma source(%dma_start3A_99 : memref<500000x128xf32, #tpu.memory_space<hbm>>) target(%dma_start3A_93 : memref<128x128xf32, #tpu.memory_space<vmem>>) offsets(%dma_start3A_96 : memref<128xi32, #tpu.memory_space<vmem>>) semaphore(%dma_start3A_101 : memref<!tpu.dma_semaphore, #tpu.memory_space<semaphore_mem>>)
    %get3A_102 = arith.constant 1 : i32
    %get3A_103 = arith.index_cast %get3A_102 : i32 to index
    %get3A_104 = arith.constant 0 : index
    %get3A_105 = tpu.vector_load %arg5[%get3A_103, %get3A_104] {strides = array<i32>} : memref<200x128xi32, #tpu.memory_space<vmem>>, vector<16xi32>,
    %shift_right_logical3A_106 = arith.constant 1 : i32
    %shift_right_logical3A_107 = vector.broadcast %shift_right_logical3A_106 : i32 to vector<16xi32>
    %shift_right_logical3A_108 = arith.shrui %get3A_105, %shift_right_logical3A_107 : vector<16xi32>
    %swap3A_109 = arith.constant 1 : i32
    %swap3A_110 = arith.index_cast %swap3A_109 : i32 to index
    %swap3A_111 = arith.constant 0 : index
    %swap3A_112 = tpu.vector_load %arg6[%swap3A_110, %swap3A_111] {strides = array<i32>} : memref<4x128xi32, #tpu.memory_space<vmem>>, vector<16xi32>,
    tpu.vector_store %arg6[%swap3A_110, %swap3A_111], %shift_right_logical3A_108 {strides = array<i32>} : memref<4x128xi32, #tpu.memory_space<vmem>>, vector<16xi32>,
    %get3A_113 = arith.constant 1 : i32
    %get3A_114 = arith.index_cast %get3A_113 : i32 to index
    %get3A_115 = arith.constant 16 : index
    %get3A_116 = tpu.vector_load %arg5[%get3A_114, %get3A_115] {strides = array<i32>} : memref<200x128xi32, #tpu.memory_space<vmem>>, vector<16xi32>,
    %shift_right_logical3A_117 = arith.constant 1 : i32
    %shift_right_logical3A_118 = vector.broadcast %shift_right_logical3A_117 : i32 to vector<16xi32>
    %shift_right_logical3A_119 = arith.shrui %get3A_116, %shift_right_logical3A_118 : vector<16xi32>
    %swap3A_120 = arith.constant 1 : i32
    %swap3A_121 = arith.index_cast %swap3A_120 : i32 to index
    %swap3A_122 = arith.constant 16 : index
    %swap3A_123 = tpu.vector_load %arg6[%swap3A_121, %swap3A_122] {strides = array<i32>} : memref<4x128xi32, #tpu.memory_space<vmem>>, vector<16xi32>,
    tpu.vector_store %arg6[%swap3A_121, %swap3A_122], %shift_right_logical3A_119 {strides = array<i32>} : memref<4x128xi32, #tpu.memory_space<vmem>>, vector<16xi32>,
    %get3A_124 = arith.constant 1 : i32
    %get3A_125 = arith.index_cast %get3A_124 : i32 to index
    %get3A_126 = arith.constant 32 : index
    %get3A_127 = tpu.vector_load %arg5[%get3A_125, %get3A_126] {strides = array<i32>} : memref<200x128xi32, #tpu.memory_space<vmem>>, vector<16xi32>,
    %shift_right_logical3A_128 = arith.constant 1 : i32
    %shift_right_logical3A_129 = vector.broadcast %shift_right_logical3A_128 : i32 to vector<16xi32>
    %shift_right_logical3A_130 = arith.shrui %get3A_127, %shift_right_logical3A_129 : vector<16xi32>
    %swap3A_131 = arith.constant 1 : i32
    %swap3A_132 = arith.index_cast %swap3A_131 : i32 to index
    %swap3A_133 = arith.constant 32 : index
    %swap3A_134 = tpu.vector_load %arg6[%swap3A_132, %swap3A_133] {strides = array<i32>} : memref<4x128xi32, #tpu.memory_space<vmem>>, vector<16xi32>,
    tpu.vector_store %arg6[%swap3A_132, %swap3A_133], %shift_right_logical3A_130 {strides = array<i32>} : memref<4x128xi32, #tpu.memory_space<vmem>>, vector<16xi32>,
    %get3A_135 = arith.constant 1 : i32
    %get3A_136 = arith.index_cast %get3A_135 : i32 to index
    %get3A_137 = arith.constant 48 : index
    %get3A_138 = tpu.vector_load %arg5[%get3A_136, %get3A_137] {strides = array<i32>} : memref<200x128xi32, #tpu.memory_space<vmem>>, vector<16xi32>,
    %shift_right_logical3A_139 = arith.constant 1 : i32
    %shift_right_logical3A_140 = vector.broadcast %shift_right_logical3A_139 : i32 to vector<16xi32>
    %shift_right_logical3A_141 = arith.shrui %get3A_138, %shift_right_logical3A_140 : vector<16xi32>
    %swap3A_142 = arith.constant 1 : i32
    %swap3A_143 = arith.index_cast %swap3A_142 : i32 to index
    %swap3A_144 = arith.constant 48 : index
    %swap3A_145 = tpu.vector_load %arg6[%swap3A_143, %swap3A_144] {strides = array<i32>} : memref<4x128xi32, #tpu.memory_space<vmem>>, vector<16xi32>,
    tpu.vector_store %arg6[%swap3A_143, %swap3A_144], %shift_right_logical3A_141 {strides = array<i32>} : memref<4x128xi32, #tpu.memory_space<vmem>>, vector<16xi32>,
    %get3A_146 = arith.constant 1 : i32
    %get3A_147 = arith.index_cast %get3A_146 : i32 to index
    %get3A_148 = arith.constant 64 : index
    %get3A_149 = tpu.vector_load %arg5[%get3A_147, %get3A_148] {strides = array<i32>} : memref<200x128xi32, #tpu.memory_space<vmem>>, vector<16xi32>,
    %shift_right_logical3A_150 = arith.constant 1 : i32
    %shift_right_logical3A_151 = vector.broadcast %shift_right_logical3A_150 : i32 to vector<16xi32>
    %shift_right_logical3A_152 = arith.shrui %get3A_149, %shift_right_logical3A_151 : vector<16xi32>
    %swap3A_153 = arith.constant 1 : i32
    %swap3A_154 = arith.index_cast %swap3A_153 : i32 to index
    %swap3A_155 = arith.constant 64 : index
    %swap3A_156 = tpu.vector_load %arg6[%swap3A_154, %swap3A_155] {strides = array<i32>} : memref<4x128xi32, #tpu.memory_space<vmem>>, vector<16xi32>,
    tpu.vector_store %arg6[%swap3A_154, %swap3A_155], %shift_right_logical3A_152 {strides = array<i32>} : memref<4x128xi32, #tpu.memory_space<vmem>>, vector<16xi32>,
    %get3A_157 = arith.constant 1 : i32
    %get3A_158 = arith.index_cast %get3A_157 : i32 to index
    %get3A_159 = arith.constant 80 : index
    %get3A_160 = tpu.vector_load %arg5[%get3A_158, %get3A_159] {strides = array<i32>} : memref<200x128xi32, #tpu.memory_space<vmem>>, vector<16xi32>,
    %shift_right_logical3A_161 = arith.constant 1 : i32
    %shift_right_logical3A_162 = vector.broadcast %shift_right_logical3A_161 : i32 to vector<16xi32>
    %shift_right_logical3A_163 = arith.shrui %get3A_160, %shift_right_logical3A_162 : vector<16xi32>
    %swap3A_164 = arith.constant 1 : i32
    %swap3A_165 = arith.index_cast %swap3A_164 : i32 to index
    %swap3A_166 = arith.constant 80 : index
    %swap3A_167 = tpu.vector_load %arg6[%swap3A_165, %swap3A_166] {strides = array<i32>} : memref<4x128xi32, #tpu.memory_space<vmem>>, vector<16xi32>,
    tpu.vector_store %arg6[%swap3A_165, %swap3A_166], %shift_right_logical3A_163 {strides = array<i32>} : memref<4x128xi32, #tpu.memory_space<vmem>>, vector<16xi32>,
    %get3A_168 = arith.constant 1 : i32
    %get3A_169 = arith.index_cast %get3A_168 : i32 to index
    %get3A_170 = arith.constant 96 : index
    %get3A_171 = tpu.vector_load %arg5[%get3A_169, %get3A_170] {strides = array<i32>} : memref<200x128xi32, #tpu.memory_space<vmem>>, vector<16xi32>,
    %shift_right_logical3A_172 = arith.constant 1 : i32
    %shift_right_logical3A_173 = vector.broadcast %shift_right_logical3A_172 : i32 to vector<16xi32>
    %shift_right_logical3A_174 = arith.shrui %get3A_171, %shift_right_logical3A_173 : vector<16xi32>
    %swap3A_175 = arith.constant 1 : i32
    %swap3A_176 = arith.index_cast %swap3A_175 : i32 to index
    %swap3A_177 = arith.constant 96 : index
    %swap3A_178 = tpu.vector_load %arg6[%swap3A_176, %swap3A_177] {strides = array<i32>} : memref<4x128xi32, #tpu.memory_space<vmem>>, vector<16xi32>,
    tpu.vector_store %arg6[%swap3A_176, %swap3A_177], %shift_right_logical3A_174 {strides = array<i32>} : memref<4x128xi32, #tpu.memory_space<vmem>>, vector<16xi32>,
    %get3A_179 = arith.constant 1 : i32
    %get3A_180 = arith.index_cast %get3A_179 : i32 to index
    %get3A_181 = arith.constant 112 : index
    %get3A_182 = tpu.vector_load %arg5[%get3A_180, %get3A_181] {strides = array<i32>} : memref<200x128xi32, #tpu.memory_space<vmem>>, vector<16xi32>,
    %shift_right_logical3A_183 = arith.constant 1 : i32
    %shift_right_logical3A_184 = vector.broadcast %shift_right_logical3A_183 : i32 to vector<16xi32>
    %shift_right_logical3A_185 = arith.shrui %get3A_182, %shift_right_logical3A_184 : vector<16xi32>
    %swap3A_186 = arith.constant 1 : i32
    %swap3A_187 = arith.index_cast %swap3A_186 : i32 to index
    %swap3A_188 = arith.constant 112 : index
    %swap3A_189 = tpu.vector_load %arg6[%swap3A_187, %swap3A_188] {strides = array<i32>} : memref<4x128xi32, #tpu.memory_space<vmem>>, vector<16xi32>,
    tpu.vector_store %arg6[%swap3A_187, %swap3A_188], %shift_right_logical3A_185 {strides = array<i32>} : memref<4x128xi32, #tpu.memory_space<vmem>>, vector<16xi32>,
    %dma_start3A_190 = arith.constant 1 : i32
    %dma_start3A_191 = arith.constant 1 : i32
    %dma_start3A_192 = arith.constant 1 : i32
    %dma_start3A_193 = arith.constant 0 : i32
    %dma_start3A_194 = arith.constant 0 : i32
    %dma_start3A_195 = tpu.memref_slice %arg7[%dma_start3A_191, %dma_start3A_193, %dma_start3A_194] : memref<4x128x128xf32, #tpu.memory_space<vmem>> -> memref<1x128x128xf32, #tpu.memory_space<vmem>>
    %dma_start3A_196 = tpu.memref_squeeze %dma_start3A_195 : memref<1x128x128xf32, #tpu.memory_space<vmem>> -> memref<128x128xf32, #tpu.memory_space<vmem>>
    %dma_start3A_197 = arith.constant 0 : i32
    %dma_start3A_198 = tpu.memref_slice %arg6[%dma_start3A_190, %dma_start3A_197] : memref<4x128xi32, #tpu.memory_space<vmem>> -> memref<1x128xi32, #tpu.memory_space<vmem>>
    %dma_start3A_199 = tpu.memref_squeeze %dma_start3A_198 : memref<1x128xi32, #tpu.memory_space<vmem>> -> memref<128xi32, #tpu.memory_space<vmem>>
    %dma_start3A_200 = arith.constant 0 : i32
    %dma_start3A_201 = arith.constant 0 : i32
    %dma_start3A_202 = tpu.memref_slice %arg3[%dma_start3A_200, %dma_start3A_201] : memref<500000x128xf32, #tpu.memory_space<hbm>> -> memref<500000x128xf32, #tpu.memory_space<hbm>>
    %dma_start3A_203 = tpu.memref_slice %arg9[%dma_start3A_192] : memref<4x!tpu.dma_semaphore, #tpu.memory_space<semaphore_mem>> -> memref<1x!tpu.dma_semaphore, #tpu.memory_space<semaphore_mem>>
    %dma_start3A_204 = tpu.memref_squeeze %dma_start3A_203 : memref<1x!tpu.dma_semaphore, #tpu.memory_space<semaphore_mem>> -> memref<!tpu.dma_semaphore, #tpu.memory_space<semaphore_mem>>
    tpu.enqueue_indirect_dma source(%dma_start3A_202 : memref<500000x128xf32, #tpu.memory_space<hbm>>) target(%dma_start3A_196 : memref<128x128xf32, #tpu.memory_space<vmem>>) offsets(%dma_start3A_199 : memref<128xi32, #tpu.memory_space<vmem>>) semaphore(%dma_start3A_204 : memref<!tpu.dma_semaphore, #tpu.memory_space<semaphore_mem>>)
    %get3A_205 = arith.constant 2 : i32
    %get3A_206 = arith.index_cast %get3A_205 : i32 to index
    %get3A_207 = arith.constant 0 : index
    %get3A_208 = tpu.vector_load %arg5[%get3A_206, %get3A_207] {strides = array<i32>} : memref<200x128xi32, #tpu.memory_space<vmem>>, vector<16xi32>,
    %shift_right_logical3A_209 = arith.constant 1 : i32
    %shift_right_logical3A_210 = vector.broadcast %shift_right_logical3A_209 : i32 to vector<16xi32>
    %shift_right_logical3A_211 = arith.shrui %get3A_208, %shift_right_logical3A_210 : vector<16xi32>
    %swap3A_212 = arith.constant 2 : i32
    %swap3A_213 = arith.index_cast %swap3A_212 : i32 to index
    %swap3A_214 = arith.constant 0 : index
    %swap3A_215 = tpu.vector_load %arg6[%swap3A_213, %swap3A_214] {strides = array<i32>} : memref<4x128xi32, #tpu.memory_space<vmem>>, vector<16xi32>,
    tpu.vector_store %arg6[%swap3A_213, %swap3A_214], %shift_right_logical3A_211 {strides = array<i32>} : memref<4x128xi32, #tpu.memory_space<vmem>>, vector<16xi32>,
    %get3A_216 = arith.constant 2 : i32
    %get3A_217 = arith.index_cast %get3A_216 : i32 to index
    %get3A_218 = arith.constant 16 : index
    %get3A_219 = tpu.vector_load %arg5[%get3A_217, %get3A_218] {strides = array<i32>} : memref<200x128xi32, #tpu.memory_space<vmem>>, vector<16xi32>,
    %shift_right_logical3A_220 = arith.constant 1 : i32
    %shift_right_logical3A_221 = vector.broadcast %shift_right_logical3A_220 : i32 to vector<16xi32>
    %shift_right_logical3A_222 = arith.shrui %get3A_219, %shift_right_logical3A_221 : vector<16xi32>
    %swap3A_223 = arith.constant 2 : i32
    %swap3A_224 = arith.index_cast %swap3A_223 : i32 to index
    %swap3A_225 = arith.constant 16 : index
    %swap3A_226 = tpu.vector_load %arg6[%swap3A_224, %swap3A_225] {strides = array<i32>} : memref<4x128xi32, #tpu.memory_space<vmem>>, vector<16xi32>,
    tpu.vector_store %arg6[%swap3A_224, %swap3A_225], %shift_right_logical3A_222 {strides = array<i32>} : memref<4x128xi32, #tpu.memory_space<vmem>>, vector<16xi32>,
    %get3A_227 = arith.constant 2 : i32
    %get3A_228 = arith.index_cast %get3A_227 : i32 to index
    %get3A_229 = arith.constant 32 : index
    %get3A_230 = tpu.vector_load %arg5[%get3A_228, %get3A_229] {strides = array<i32>} : memref<200x128xi32, #tpu.memory_space<vmem>>, vector<16xi32>,
    %shift_right_logical3A_231 = arith.constant 1 : i32
    %shift_right_logical3A_232 = vector.broadcast %shift_right_logical3A_231 : i32 to vector<16xi32>
    %shift_right_logical3A_233 = arith.shrui %get3A_230, %shift_right_logical3A_232 : vector<16xi32>
    %swap3A_234 = arith.constant 2 : i32
    %swap3A_235 = arith.index_cast %swap3A_234 : i32 to index
    %swap3A_236 = arith.constant 32 : index
    %swap3A_237 = tpu.vector_load %arg6[%swap3A_235, %swap3A_236] {strides = array<i32>} : memref<4x128xi32, #tpu.memory_space<vmem>>, vector<16xi32>,
    tpu.vector_store %arg6[%swap3A_235, %swap3A_236], %shift_right_logical3A_233 {strides = array<i32>} : memref<4x128xi32, #tpu.memory_space<vmem>>, vector<16xi32>,
    %get3A_238 = arith.constant 2 : i32
    %get3A_239 = arith.index_cast %get3A_238 : i32 to index
    %get3A_240 = arith.constant 48 : index
    %get3A_241 = tpu.vector_load %arg5[%get3A_239, %get3A_240] {strides = array<i32>} : memref<200x128xi32, #tpu.memory_space<vmem>>, vector<16xi32>,
    %shift_right_logical3A_242 = arith.constant 1 : i32
    %shift_right_logical3A_243 = vector.broadcast %shift_right_logical3A_242 : i32 to vector<16xi32>
    %shift_right_logical3A_244 = arith.shrui %get3A_241, %shift_right_logical3A_243 : vector<16xi32>
    %swap3A_245 = arith.constant 2 : i32
    %swap3A_246 = arith.index_cast %swap3A_245 : i32 to index
    %swap3A_247 = arith.constant 48 : index
    %swap3A_248 = tpu.vector_load %arg6[%swap3A_246, %swap3A_247] {strides = array<i32>} : memref<4x128xi32, #tpu.memory_space<vmem>>, vector<16xi32>,
    tpu.vector_store %arg6[%swap3A_246, %swap3A_247], %shift_right_logical3A_244 {strides = array<i32>} : memref<4x128xi32, #tpu.memory_space<vmem>>, vector<16xi32>,
    %get3A_249 = arith.constant 2 : i32
    %get3A_250 = arith.index_cast %get3A_249 : i32 to index
    %get3A_251 = arith.constant 64 : index
    %get3A_252 = tpu.vector_load %arg5[%get3A_250, %get3A_251] {strides = array<i32>} : memref<200x128xi32, #tpu.memory_space<vmem>>, vector<16xi32>,
    %shift_right_logical3A_253 = arith.constant 1 : i32
    %shift_right_logical3A_254 = vector.broadcast %shift_right_logical3A_253 : i32 to vector<16xi32>
    %shift_right_logical3A_255 = arith.shrui %get3A_252, %shift_right_logical3A_254 : vector<16xi32>
    %swap3A_256 = arith.constant 2 : i32
    %swap3A_257 = arith.index_cast %swap3A_256 : i32 to index
    %swap3A_258 = arith.constant 64 : index
    %swap3A_259 = tpu.vector_load %arg6[%swap3A_257, %swap3A_258] {strides = array<i32>} : memref<4x128xi32, #tpu.memory_space<vmem>>, vector<16xi32>,
    tpu.vector_store %arg6[%swap3A_257, %swap3A_258], %shift_right_logical3A_255 {strides = array<i32>} : memref<4x128xi32, #tpu.memory_space<vmem>>, vector<16xi32>,
    %get3A_260 = arith.constant 2 : i32
    %get3A_261 = arith.index_cast %get3A_260 : i32 to index
    %get3A_262 = arith.constant 80 : index
    %get3A_263 = tpu.vector_load %arg5[%get3A_261, %get3A_262] {strides = array<i32>} : memref<200x128xi32, #tpu.memory_space<vmem>>, vector<16xi32>,
    %shift_right_logical3A_264 = arith.constant 1 : i32
    %shift_right_logical3A_265 = vector.broadcast %shift_right_logical3A_264 : i32 to vector<16xi32>
    %shift_right_logical3A_266 = arith.shrui %get3A_263, %shift_right_logical3A_265 : vector<16xi32>
    %swap3A_267 = arith.constant 2 : i32
    %swap3A_268 = arith.index_cast %swap3A_267 : i32 to index
    %swap3A_269 = arith.constant 80 : index
    %swap3A_270 = tpu.vector_load %arg6[%swap3A_268, %swap3A_269] {strides = array<i32>} : memref<4x128xi32, #tpu.memory_space<vmem>>, vector<16xi32>,
    tpu.vector_store %arg6[%swap3A_268, %swap3A_269], %shift_right_logical3A_266 {strides = array<i32>} : memref<4x128xi32, #tpu.memory_space<vmem>>, vector<16xi32>,
    %get3A_271 = arith.constant 2 : i32
    %get3A_272 = arith.index_cast %get3A_271 : i32 to index
    %get3A_273 = arith.constant 96 : index
    %get3A_274 = tpu.vector_load %arg5[%get3A_272, %get3A_273] {strides = array<i32>} : memref<200x128xi32, #tpu.memory_space<vmem>>, vector<16xi32>,
    %shift_right_logical3A_275 = arith.constant 1 : i32
    %shift_right_logical3A_276 = vector.broadcast %shift_right_logical3A_275 : i32 to vector<16xi32>
    %shift_right_logical3A_277 = arith.shrui %get3A_274, %shift_right_logical3A_276 : vector<16xi32>
    %swap3A_278 = arith.constant 2 : i32
    %swap3A_279 = arith.index_cast %swap3A_278 : i32 to index
    %swap3A_280 = arith.constant 96 : index
    %swap3A_281 = tpu.vector_load %arg6[%swap3A_279, %swap3A_280] {strides = array<i32>} : memref<4x128xi32, #tpu.memory_space<vmem>>, vector<16xi32>,
    tpu.vector_store %arg6[%swap3A_279, %swap3A_280], %shift_right_logical3A_277 {strides = array<i32>} : memref<4x128xi32, #tpu.memory_space<vmem>>, vector<16xi32>,
    %get3A_282 = arith.constant 2 : i32
    %get3A_283 = arith.index_cast %get3A_282 : i32 to index
    %get3A_284 = arith.constant 112 : index
    %get3A_285 = tpu.vector_load %arg5[%get3A_283, %get3A_284] {strides = array<i32>} : memref<200x128xi32, #tpu.memory_space<vmem>>, vector<16xi32>,
    %shift_right_logical3A_286 = arith.constant 1 : i32
    %shift_right_logical3A_287 = vector.broadcast %shift_right_logical3A_286 : i32 to vector<16xi32>
    %shift_right_logical3A_288 = arith.shrui %get3A_285, %shift_right_logical3A_287 : vector<16xi32>
    %swap3A_289 = arith.constant 2 : i32
    %swap3A_290 = arith.index_cast %swap3A_289 : i32 to index
    %swap3A_291 = arith.constant 112 : index
    %swap3A_292 = tpu.vector_load %arg6[%swap3A_290, %swap3A_291] {strides = array<i32>} : memref<4x128xi32, #tpu.memory_space<vmem>>, vector<16xi32>,
    tpu.vector_store %arg6[%swap3A_290, %swap3A_291], %shift_right_logical3A_288 {strides = array<i32>} : memref<4x128xi32, #tpu.memory_space<vmem>>, vector<16xi32>,
    %dma_start3A_293 = arith.constant 2 : i32
    %dma_start3A_294 = arith.constant 2 : i32
    %dma_start3A_295 = arith.constant 2 : i32
    %dma_start3A_296 = arith.constant 0 : i32
    %dma_start3A_297 = arith.constant 0 : i32
    %dma_start3A_298 = tpu.memref_slice %arg7[%dma_start3A_294, %dma_start3A_296, %dma_start3A_297] : memref<4x128x128xf32, #tpu.memory_space<vmem>> -> memref<1x128x128xf32, #tpu.memory_space<vmem>>
    %dma_start3A_299 = tpu.memref_squeeze %dma_start3A_298 : memref<1x128x128xf32, #tpu.memory_space<vmem>> -> memref<128x128xf32, #tpu.memory_space<vmem>>
    %dma_start3A_300 = arith.constant 0 : i32
    %dma_start3A_301 = tpu.memref_slice %arg6[%dma_start3A_293, %dma_start3A_300] : memref<4x128xi32, #tpu.memory_space<vmem>> -> memref<1x128xi32, #tpu.memory_space<vmem>>
    %dma_start3A_302 = tpu.memref_squeeze %dma_start3A_301 : memref<1x128xi32, #tpu.memory_space<vmem>> -> memref<128xi32, #tpu.memory_space<vmem>>
    %dma_start3A_303 = arith.constant 0 : i32
    %dma_start3A_304 = arith.constant 0 : i32
    %dma_start3A_305 = tpu.memref_slice %arg3[%dma_start3A_303, %dma_start3A_304] : memref<500000x128xf32, #tpu.memory_space<hbm>> -> memref<500000x128xf32, #tpu.memory_space<hbm>>
    %dma_start3A_306 = tpu.memref_slice %arg9[%dma_start3A_295] : memref<4x!tpu.dma_semaphore, #tpu.memory_space<semaphore_mem>> -> memref<1x!tpu.dma_semaphore, #tpu.memory_space<semaphore_mem>>
    %dma_start3A_307 = tpu.memref_squeeze %dma_start3A_306 : memref<1x!tpu.dma_semaphore, #tpu.memory_space<semaphore_mem>> -> memref<!tpu.dma_semaphore, #tpu.memory_space<semaphore_mem>>
    tpu.enqueue_indirect_dma source(%dma_start3A_305 : memref<500000x128xf32, #tpu.memory_space<hbm>>) target(%dma_start3A_299 : memref<128x128xf32, #tpu.memory_space<vmem>>) offsets(%dma_start3A_302 : memref<128xi32, #tpu.memory_space<vmem>>) semaphore(%dma_start3A_307 : memref<!tpu.dma_semaphore, #tpu.memory_space<semaphore_mem>>)
    %get3A_308 = arith.constant 3 : i32
    %get3A_309 = arith.index_cast %get3A_308 : i32 to index
    %get3A_310 = arith.constant 0 : index
    %get3A_311 = tpu.vector_load %arg5[%get3A_309, %get3A_310] {strides = array<i32>} : memref<200x128xi32, #tpu.memory_space<vmem>>, vector<16xi32>,
    %shift_right_logical3A_312 = arith.constant 1 : i32
    %shift_right_logical3A_313 = vector.broadcast %shift_right_logical3A_312 : i32 to vector<16xi32>
    %shift_right_logical3A_314 = arith.shrui %get3A_311, %shift_right_logical3A_313 : vector<16xi32>
    %swap3A_315 = arith.constant 3 : i32
    %swap3A_316 = arith.index_cast %swap3A_315 : i32 to index
    %swap3A_317 = arith.constant 0 : index
    %swap3A_318 = tpu.vector_load %arg6[%swap3A_316, %swap3A_317] {strides = array<i32>} : memref<4x128xi32, #tpu.memory_space<vmem>>, vector<16xi32>,
    tpu.vector_store %arg6[%swap3A_316, %swap3A_317], %shift_right_logical3A_314 {strides = array<i32>} : memref<4x128xi32, #tpu.memory_space<vmem>>, vector<16xi32>,
    %get3A_319 = arith.constant 3 : i32
    %get3A_320 = arith.index_cast %get3A_319 : i32 to index
    %get3A_321 = arith.constant 16 : index
    %get3A_322 = tpu.vector_load %arg5[%get3A_320, %get3A_321] {strides = array<i32>} : memref<200x128xi32, #tpu.memory_space<vmem>>, vector<16xi32>,
    %shift_right_logical3A_323 = arith.constant 1 : i32
    %shift_right_logical3A_324 = vector.broadcast %shift_right_logical3A_323 : i32 to vector<16xi32>
    %shift_right_logical3A_325 = arith.shrui %get3A_322, %shift_right_logical3A_324 : vector<16xi32>
    %swap3A_326 = arith.constant 3 : i32
    %swap3A_327 = arith.index_cast %swap3A_326 : i32 to index
    %swap3A_328 = arith.constant 16 : index
    %swap3A_329 = tpu.vector_load %arg6[%swap3A_327, %swap3A_328] {strides = array<i32>} : memref<4x128xi32, #tpu.memory_space<vmem>>, vector<16xi32>,
    tpu.vector_store %arg6[%swap3A_327, %swap3A_328], %shift_right_logical3A_325 {strides = array<i32>} : memref<4x128xi32, #tpu.memory_space<vmem>>, vector<16xi32>,
    %get3A_330 = arith.constant 3 : i32
    %get3A_331 = arith.index_cast %get3A_330 : i32 to index
    %get3A_332 = arith.constant 32 : index
    %get3A_333 = tpu.vector_load %arg5[%get3A_331, %get3A_332] {strides = array<i32>} : memref<200x128xi32, #tpu.memory_space<vmem>>, vector<16xi32>,
    %shift_right_logical3A_334 = arith.constant 1 : i32
    %shift_right_logical3A_335 = vector.broadcast %shift_right_logical3A_334 : i32 to vector<16xi32>
    %shift_right_logical3A_336 = arith.shrui %get3A_333, %shift_right_logical3A_335 : vector<16xi32>
    %swap3A_337 = arith.constant 3 : i32
    %swap3A_338 = arith.index_cast %swap3A_337 : i32 to index
    %swap3A_339 = arith.constant 32 : index
    %swap3A_340 = tpu.vector_load %arg6[%swap3A_338, %swap3A_339] {strides = array<i32>} : memref<4x128xi32, #tpu.memory_space<vmem>>, vector<16xi32>,
    tpu.vector_store %arg6[%swap3A_338, %swap3A_339], %shift_right_logical3A_336 {strides = array<i32>} : memref<4x128xi32, #tpu.memory_space<vmem>>, vector<16xi32>,
    %get3A_341 = arith.constant 3 : i32
    %get3A_342 = arith.index_cast %get3A_341 : i32 to index
    %get3A_343 = arith.constant 48 : index
    %get3A_344 = tpu.vector_load %arg5[%get3A_342, %get3A_343] {strides = array<i32>} : memref<200x128xi32, #tpu.memory_space<vmem>>, vector<16xi32>,
    %shift_right_logical3A_345 = arith.constant 1 : i32
    %shift_right_logical3A_346 = vector.broadcast %shift_right_logical3A_345 : i32 to vector<16xi32>
    %shift_right_logical3A_347 = arith.shrui %get3A_344, %shift_right_logical3A_346 : vector<16xi32>
    %swap3A_348 = arith.constant 3 : i32
    %swap3A_349 = arith.index_cast %swap3A_348 : i32 to index
    %swap3A_350 = arith.constant 48 : index
    %swap3A_351 = tpu.vector_load %arg6[%swap3A_349, %swap3A_350] {strides = array<i32>} : memref<4x128xi32, #tpu.memory_space<vmem>>, vector<16xi32>,
    tpu.vector_store %arg6[%swap3A_349, %swap3A_350], %shift_right_logical3A_347 {strides = array<i32>} : memref<4x128xi32, #tpu.memory_space<vmem>>, vector<16xi32>,
    %get3A_352 = arith.constant 3 : i32
    %get3A_353 = arith.index_cast %get3A_352 : i32 to index
    %get3A_354 = arith.constant 64 : index
    %get3A_355 = tpu.vector_load %arg5[%get3A_353, %get3A_354] {strides = array<i32>} : memref<200x128xi32, #tpu.memory_space<vmem>>, vector<16xi32>,
    %shift_right_logical3A_356 = arith.constant 1 : i32
    %shift_right_logical3A_357 = vector.broadcast %shift_right_logical3A_356 : i32 to vector<16xi32>
    %shift_right_logical3A_358 = arith.shrui %get3A_355, %shift_right_logical3A_357 : vector<16xi32>
    %swap3A_359 = arith.constant 3 : i32
    %swap3A_360 = arith.index_cast %swap3A_359 : i32 to index
    %swap3A_361 = arith.constant 64 : index
    %swap3A_362 = tpu.vector_load %arg6[%swap3A_360, %swap3A_361] {strides = array<i32>} : memref<4x128xi32, #tpu.memory_space<vmem>>, vector<16xi32>,
    tpu.vector_store %arg6[%swap3A_360, %swap3A_361], %shift_right_logical3A_358 {strides = array<i32>} : memref<4x128xi32, #tpu.memory_space<vmem>>, vector<16xi32>,
    %get3A_363 = arith.constant 3 : i32
    %get3A_364 = arith.index_cast %get3A_363 : i32 to index
    %get3A_365 = arith.constant 80 : index
    %get3A_366 = tpu.vector_load %arg5[%get3A_364, %get3A_365] {strides = array<i32>} : memref<200x128xi32, #tpu.memory_space<vmem>>, vector<16xi32>,
    %shift_right_logical3A_367 = arith.constant 1 : i32
    %shift_right_logical3A_368 = vector.broadcast %shift_right_logical3A_367 : i32 to vector<16xi32>
    %shift_right_logical3A_369 = arith.shrui %get3A_366, %shift_right_logical3A_368 : vector<16xi32>
    %swap3A_370 = arith.constant 3 : i32
    %swap3A_371 = arith.index_cast %swap3A_370 : i32 to index
    %swap3A_372 = arith.constant 80 : index
    %swap3A_373 = tpu.vector_load %arg6[%swap3A_371, %swap3A_372] {strides = array<i32>} : memref<4x128xi32, #tpu.memory_space<vmem>>, vector<16xi32>,
    tpu.vector_store %arg6[%swap3A_371, %swap3A_372], %shift_right_logical3A_369 {strides = array<i32>} : memref<4x128xi32, #tpu.memory_space<vmem>>, vector<16xi32>,
    %get3A_374 = arith.constant 3 : i32
    %get3A_375 = arith.index_cast %get3A_374 : i32 to index
    %get3A_376 = arith.constant 96 : index
    %get3A_377 = tpu.vector_load %arg5[%get3A_375, %get3A_376] {strides = array<i32>} : memref<200x128xi32, #tpu.memory_space<vmem>>, vector<16xi32>,
    %shift_right_logical3A_378 = arith.constant 1 : i32
    %shift_right_logical3A_379 = vector.broadcast %shift_right_logical3A_378 : i32 to vector<16xi32>
    %shift_right_logical3A_380 = arith.shrui %get3A_377, %shift_right_logical3A_379 : vector<16xi32>
    %swap3A_381 = arith.constant 3 : i32
    %swap3A_382 = arith.index_cast %swap3A_381 : i32 to index
    %swap3A_383 = arith.constant 96 : index
    %swap3A_384 = tpu.vector_load %arg6[%swap3A_382, %swap3A_383] {strides = array<i32>} : memref<4x128xi32, #tpu.memory_space<vmem>>, vector<16xi32>,
    tpu.vector_store %arg6[%swap3A_382, %swap3A_383], %shift_right_logical3A_380 {strides = array<i32>} : memref<4x128xi32, #tpu.memory_space<vmem>>, vector<16xi32>,
    %get3A_385 = arith.constant 3 : i32
    %get3A_386 = arith.index_cast %get3A_385 : i32 to index
    %get3A_387 = arith.constant 112 : index
    %get3A_388 = tpu.vector_load %arg5[%get3A_386, %get3A_387] {strides = array<i32>} : memref<200x128xi32, #tpu.memory_space<vmem>>, vector<16xi32>,
    %shift_right_logical3A_389 = arith.constant 1 : i32
    %shift_right_logical3A_390 = vector.broadcast %shift_right_logical3A_389 : i32 to vector<16xi32>
    %shift_right_logical3A_391 = arith.shrui %get3A_388, %shift_right_logical3A_390 : vector<16xi32>
    %swap3A_392 = arith.constant 3 : i32
    %swap3A_393 = arith.index_cast %swap3A_392 : i32 to index
    %swap3A_394 = arith.constant 112 : index
    %swap3A_395 = tpu.vector_load %arg6[%swap3A_393, %swap3A_394] {strides = array<i32>} : memref<4x128xi32, #tpu.memory_space<vmem>>, vector<16xi32>,
    tpu.vector_store %arg6[%swap3A_393, %swap3A_394], %shift_right_logical3A_391 {strides = array<i32>} : memref<4x128xi32, #tpu.memory_space<vmem>>, vector<16xi32>,
    %dma_start3A_396 = arith.constant 3 : i32
    %dma_start3A_397 = arith.constant 3 : i32
    %dma_start3A_398 = arith.constant 3 : i32
    %dma_start3A_399 = arith.constant 0 : i32
    %dma_start3A_400 = arith.constant 0 : i32
    %dma_start3A_401 = tpu.memref_slice %arg7[%dma_start3A_397, %dma_start3A_399, %dma_start3A_400] : memref<4x128x128xf32, #tpu.memory_space<vmem>> -> memref<1x128x128xf32, #tpu.memory_space<vmem>>
    %dma_start3A_402 = tpu.memref_squeeze %dma_start3A_401 : memref<1x128x128xf32, #tpu.memory_space<vmem>> -> memref<128x128xf32, #tpu.memory_space<vmem>>
    %dma_start3A_403 = arith.constant 0 : i32
    %dma_start3A_404 = tpu.memref_slice %arg6[%dma_start3A_396, %dma_start3A_403] : memref<4x128xi32, #tpu.memory_space<vmem>> -> memref<1x128xi32, #tpu.memory_space<vmem>>
    %dma_start3A_405 = tpu.memref_squeeze %dma_start3A_404 : memref<1x128xi32, #tpu.memory_space<vmem>> -> memref<128xi32, #tpu.memory_space<vmem>>
    %dma_start3A_406 = arith.constant 0 : i32
    %dma_start3A_407 = arith.constant 0 : i32
    %dma_start3A_408 = tpu.memref_slice %arg3[%dma_start3A_406, %dma_start3A_407] : memref<500000x128xf32, #tpu.memory_space<hbm>> -> memref<500000x128xf32, #tpu.memory_space<hbm>>
    %dma_start3A_409 = tpu.memref_slice %arg9[%dma_start3A_398] : memref<4x!tpu.dma_semaphore, #tpu.memory_space<semaphore_mem>> -> memref<1x!tpu.dma_semaphore, #tpu.memory_space<semaphore_mem>>
    %dma_start3A_410 = tpu.memref_squeeze %dma_start3A_409 : memref<1x!tpu.dma_semaphore, #tpu.memory_space<semaphore_mem>> -> memref<!tpu.dma_semaphore, #tpu.memory_space<semaphore_mem>>
    tpu.enqueue_indirect_dma source(%dma_start3A_408 : memref<500000x128xf32, #tpu.memory_space<hbm>>) target(%dma_start3A_402 : memref<128x128xf32, #tpu.memory_space<vmem>>) offsets(%dma_start3A_405 : memref<128xi32, #tpu.memory_space<vmem>>) semaphore(%dma_start3A_410 : memref<!tpu.dma_semaphore, #tpu.memory_space<semaphore_mem>>)
    %scan3A = arith.constant 0 : i32
    %scan3A_411 = arith.constant 200 : i32
    %scan3A_412 = arith.addi %scan3A, %scan3A_411 : i32
    %scan3A_413 = arith.constant 1 : i32
    scf.for %scan3A_452 = %scan3A to %scan3A_412 step %scan3A_413  : i32 {
      %mul3A_453 = arith.constant 1 : i32
      %mul3A_454 = arith.muli %scan3A_452, %mul3A_453 : i32
      %add3A_455 = arith.constant 0 : i32
      %add3A_456 = arith.addi %add3A_455, %mul3A_454 : i32
      %rem3A = arith.constant 4 : i32
      %rem3A_457 = arith.remsi %add3A_456, %rem3A : i32
      %rem3A_458 = arith.constant 2 : i32
      %rem3A_459 = arith.remsi %add3A_456, %rem3A_458 : i32
      %dma_wait3A_460 = arith.constant 0 : i32
      %dma_wait3A_461 = arith.constant 0 : i32
      %dma_wait3A_462 = tpu.memref_slice %arg7[%rem3A_457, %dma_wait3A_460, %dma_wait3A_461] : memref<4x128x128xf32, #tpu.memory_space<vmem>> -> memref<1x128x128xf32, #tpu.memory_space<vmem>>
      %dma_wait3A_463 = tpu.memref_squeeze %dma_wait3A_462 : memref<1x128x128xf32, #tpu.memory_space<vmem>> -> memref<128x128xf32, #tpu.memory_space<vmem>>
      %dma_wait3A_464 = arith.constant 0 : i32
      %dma_wait3A_465 = tpu.memref_slice %arg6[%rem3A_457, %dma_wait3A_464] : memref<4x128xi32, #tpu.memory_space<vmem>> -> memref<1x128xi32, #tpu.memory_space<vmem>>
      %dma_wait3A_466 = tpu.memref_squeeze %dma_wait3A_465 : memref<1x128xi32, #tpu.memory_space<vmem>> -> memref<128xi32, #tpu.memory_space<vmem>>
      %dma_wait3A_467 = arith.constant 0 : i32
      %dma_wait3A_468 = arith.constant 0 : i32
      %dma_wait3A_469 = tpu.memref_slice %arg3[%dma_wait3A_467, %dma_wait3A_468] : memref<500000x128xf32, #tpu.memory_space<hbm>> -> memref<500000x128xf32, #tpu.memory_space<hbm>>
      %dma_wait3A_470 = tpu.memref_slice %arg9[%rem3A_457] : memref<4x!tpu.dma_semaphore, #tpu.memory_space<semaphore_mem>> -> memref<1x!tpu.dma_semaphore, #tpu.memory_space<semaphore_mem>>
      %dma_wait3A_471 = tpu.memref_squeeze %dma_wait3A_470 : memref<1x!tpu.dma_semaphore, #tpu.memory_space<semaphore_mem>> -> memref<!tpu.dma_semaphore, #tpu.memory_space<semaphore_mem>>
      tpu.wait_indirect_dma semaphore(%dma_wait3A_471 : memref<!tpu.dma_semaphore, #tpu.memory_space<semaphore_mem>>) src(%dma_wait3A_469 : memref<500000x128xf32, #tpu.memory_space<hbm>>) dst(%dma_wait3A_463 : memref<128x128xf32, #tpu.memory_space<vmem>>)
      %ge3A = arith.constant 2 : i32
      %ge3A_472 = arith.cmpi sge, %add3A_456, %ge3A : i32
      %convert_element_type3A = arith.extui %ge3A_472 : i1 to i32
      %cond3A = arith.constant 0 : i32
      %cond3A_473 = arith.cmpi ne, %convert_element_type3A, %cond3A : i32
      scf.if %cond3A_473 {
        %sub3A = arith.constant 2 : i32
        %sub3A_568 = arith.subi %add3A_456, %sub3A : i32
        %dma_wait3A_569 = arith.constant 0 : i32
        %dma_wait3A_570 = arith.constant 0 : i32
        %dma_wait3A_571 = tpu.memref_slice %arg8[%rem3A_459, %dma_wait3A_569, %dma_wait3A_570] : memref<2x64x128xf32, #tpu.memory_space<vmem>> -> memref<1x64x128xf32, #tpu.memory_space<vmem>>
        %dma_wait3A_572 = tpu.memref_squeeze %dma_wait3A_571 : memref<1x64x128xf32, #tpu.memory_space<vmem>> -> memref<64x128xf32, #tpu.memory_space<vmem>>
        %dma_wait3A_573 = arith.constant 0 : i32
        %dma_wait3A_574 = tpu.memref_slice %arg4[%sub3A_568, %dma_wait3A_573, %mul3A_2] : memref<200x64x4096xf32, #tpu.memory_space<hbm>> -> memref<1x64x128xf32, #tpu.memory_space<hbm>>
        %dma_wait3A_575 = tpu.memref_squeeze %dma_wait3A_574 : memref<1x64x128xf32, #tpu.memory_space<hbm>> -> memref<64x128xf32, #tpu.memory_space<hbm>>
        %dma_wait3A_576 = tpu.memref_slice %arg10[%rem3A_459] : memref<2x!tpu.dma_semaphore, #tpu.memory_space<semaphore_mem>> -> memref<1x!tpu.dma_semaphore, #tpu.memory_space<semaphore_mem>>
        %dma_wait3A_577 = tpu.memref_squeeze %dma_wait3A_576 : memref<1x!tpu.dma_semaphore, #tpu.memory_space<semaphore_mem>> -> memref<!tpu.dma_semaphore, #tpu.memory_space<semaphore_mem>>
        %dma_wait3A_578 = arith.constant 0 : i32
        %dma_wait3A_579 = tpu.memref_slice %arg4[%sub3A_568, %dma_wait3A_578, %mul3A_2] : memref<200x64x4096xf32, #tpu.memory_space<hbm>> -> memref<1x64x128xf32, #tpu.memory_space<hbm>>
        %dma_wait3A_580 = tpu.memref_squeeze %dma_wait3A_579 : memref<1x64x128xf32, #tpu.memory_space<hbm>> -> memref<64x128xf32, #tpu.memory_space<hbm>>
        %dma_wait3A_581 = arith.constant 0 : i32
        %dma_wait3A_582 = arith.constant 0 : i32
        %dma_wait3A_583 = tpu.memref_slice %arg8[%rem3A_459, %dma_wait3A_581, %dma_wait3A_582] : memref<2x64x128xf32, #tpu.memory_space<vmem>> -> memref<1x64x128xf32, #tpu.memory_space<vmem>>
        %dma_wait3A_584 = tpu.memref_squeeze %dma_wait3A_583 : memref<1x64x128xf32, #tpu.memory_space<vmem>> -> memref<64x128xf32, #tpu.memory_space<vmem>>
        tpu.wait_dma2 semaphore(%dma_wait3A_577 : memref<!tpu.dma_semaphore, #tpu.memory_space<semaphore_mem>>) src(%dma_wait3A_584 : memref<64x128xf32, #tpu.memory_space<vmem>>) dst(%dma_wait3A_580 : memref<64x128xf32, #tpu.memory_space<hbm>>)
      } else {
      }
      %broadcast_in_dim3A = vector.broadcast %rem3A_457 : i32 to vector<16xi32>
      %get3A_474 = arith.index_cast %add3A_456 : i32 to index
      %get3A_475 = arith.constant 0 : index
      %get3A_476 = tpu.vector_load %arg5[%get3A_474, %get3A_475] {strides = array<i32>} : memref<200x128xi32, #tpu.memory_space<vmem>>, vector<16xi32>,
      %and3A = arith.constant 1 : i32
      %and3A_477 = vector.broadcast %and3A : i32 to vector<16xi32>
      %and3A_478 = arith.andi %get3A_476, %and3A_477 : vector<16xi32>
      %shift_left3A = arith.constant 6 : i32
      %shift_left3A_479 = vector.broadcast %shift_left3A : i32 to vector<16xi32>
      %shift_left3A_480 = arith.shli %and3A_478, %shift_left3A_479 : vector<16xi32>
      %get3A_481 = arith.index_cast %add3A_456 : i32 to index
      %get3A_482 = arith.constant 16 : index
      %get3A_483 = tpu.vector_load %arg5[%get3A_481, %get3A_482] {strides = array<i32>} : memref<200x128xi32, #tpu.memory_space<vmem>>, vector<16xi32>,
      %and3A_484 = arith.constant 1 : i32
      %and3A_485 = vector.broadcast %and3A_484 : i32 to vector<16xi32>
      %and3A_486 = arith.andi %get3A_483, %and3A_485 : vector<16xi32>
      %shift_left3A_487 = arith.constant 6 : i32
      %shift_left3A_488 = vector.broadcast %shift_left3A_487 : i32 to vector<16xi32>
      %shift_left3A_489 = arith.shli %and3A_486, %shift_left3A_488 : vector<16xi32>
      %get3A_490 = arith.index_cast %add3A_456 : i32 to index
      %get3A_491 = arith.constant 32 : index
      %get3A_492 = tpu.vector_load %arg5[%get3A_490, %get3A_491] {strides = array<i32>} : memref<200x128xi32, #tpu.memory_space<vmem>>, vector<16xi32>,
      %and3A_493 = arith.constant 1 : i32
      %and3A_494 = vector.broadcast %and3A_493 : i32 to vector<16xi32>
      %and3A_495 = arith.andi %get3A_492, %and3A_494 : vector<16xi32>
      %shift_left3A_496 = arith.constant 6 : i32
      %shift_left3A_497 = vector.broadcast %shift_left3A_496 : i32 to vector<16xi32>
      %shift_left3A_498 = arith.shli %and3A_495, %shift_left3A_497 : vector<16xi32>
      %get3A_499 = arith.index_cast %add3A_456 : i32 to index
      %get3A_500 = arith.constant 48 : index
      %get3A_501 = tpu.vector_load %arg5[%get3A_499, %get3A_500] {strides = array<i32>} : memref<200x128xi32, #tpu.memory_space<vmem>>, vector<16xi32>,
      %and3A_502 = arith.constant 1 : i32
      %and3A_503 = vector.broadcast %and3A_502 : i32 to vector<16xi32>
      %and3A_504 = arith.andi %get3A_501, %and3A_503 : vector<16xi32>
      %shift_left3A_505 = arith.constant 6 : i32
      %shift_left3A_506 = vector.broadcast %shift_left3A_505 : i32 to vector<16xi32>
      %shift_left3A_507 = arith.shli %and3A_504, %shift_left3A_506 : vector<16xi32>
      %get3A_508 = arith.index_cast %add3A_456 : i32 to index
      %get3A_509 = arith.constant 64 : index
      %get3A_510 = tpu.vector_load %arg5[%get3A_508, %get3A_509] {strides = array<i32>} : memref<200x128xi32, #tpu.memory_space<vmem>>, vector<16xi32>,
      %and3A_511 = arith.constant 1 : i32
      %and3A_512 = vector.broadcast %and3A_511 : i32 to vector<16xi32>
      %and3A_513 = arith.andi %get3A_510, %and3A_512 : vector<16xi32>
      %shift_left3A_514 = arith.constant 6 : i32
      %shift_left3A_515 = vector.broadcast %shift_left3A_514 : i32 to vector<16xi32>
      %shift_left3A_516 = arith.shli %and3A_513, %shift_left3A_515 : vector<16xi32>
      %get3A_517 = arith.index_cast %add3A_456 : i32 to index
      %get3A_518 = arith.constant 80 : index
      %get3A_519 = tpu.vector_load %arg5[%get3A_517, %get3A_518] {strides = array<i32>} : memref<200x128xi32, #tpu.memory_space<vmem>>, vector<16xi32>,
      %and3A_520 = arith.constant 1 : i32
      %and3A_521 = vector.broadcast %and3A_520 : i32 to vector<16xi32>
      %and3A_522 = arith.andi %get3A_519, %and3A_521 : vector<16xi32>
      %shift_left3A_523 = arith.constant 6 : i32
      %shift_left3A_524 = vector.broadcast %shift_left3A_523 : i32 to vector<16xi32>
      %shift_left3A_525 = arith.shli %and3A_522, %shift_left3A_524 : vector<16xi32>
      %get3A_526 = arith.index_cast %add3A_456 : i32 to index
      %get3A_527 = arith.constant 96 : index
      %get3A_528 = tpu.vector_load %arg5[%get3A_526, %get3A_527] {strides = array<i32>} : memref<200x128xi32, #tpu.memory_space<vmem>>, vector<16xi32>,
      %and3A_529 = arith.constant 1 : i32
      %and3A_530 = vector.broadcast %and3A_529 : i32 to vector<16xi32>
      %and3A_531 = arith.andi %get3A_528, %and3A_530 : vector<16xi32>
      %shift_left3A_532 = arith.constant 6 : i32
      %shift_left3A_533 = vector.broadcast %shift_left3A_532 : i32 to vector<16xi32>
      %shift_left3A_534 = arith.shli %and3A_531, %shift_left3A_533 : vector<16xi32>
      %get3A_535 = arith.index_cast %add3A_456 : i32 to index
      %get3A_536 = arith.constant 112 : index
      %get3A_537 = tpu.vector_load %arg5[%get3A_535, %get3A_536] {strides = array<i32>} : memref<200x128xi32, #tpu.memory_space<vmem>>, vector<16xi32>,
      %and3A_538 = arith.constant 1 : i32
      %and3A_539 = vector.broadcast %and3A_538 : i32 to vector<16xi32>
      %and3A_540 = arith.andi %get3A_537, %and3A_539 : vector<16xi32>
      %shift_left3A_541 = arith.constant 6 : i32
      %shift_left3A_542 = vector.broadcast %shift_left3A_541 : i32 to vector<16xi32>
      %shift_left3A_543 = arith.shli %and3A_540, %shift_left3A_542 : vector<16xi32>
      %parallel_loop3A = arith.constant 0 : i32
      %parallel_loop3A_544 = arith.constant 64 : i32
      %parallel_loop3A_545 = arith.constant 1 : i32
      scf.for %parallel_loop3A_568 = %parallel_loop3A to %parallel_loop3A_544 step %parallel_loop3A_545  : i32 {
        %parallel_loop3A_569 = vector.broadcast %parallel_loop3A_568 : i32 to vector<16xi32>
        %parallel_loop3A_570 = tpu.iota {dimensions = array<i32: 0>} : vector<16xi32>
        %parallel_loop3A_571 = arith.constant 0 : i32
        %parallel_loop3A_572 = vector.broadcast %parallel_loop3A_571 : i32 to vector<16xi32>
        %parallel_loop3A_573 = arith.addi %parallel_loop3A_570, %parallel_loop3A_572 : vector<16xi32>
        %parallel_loop3A_574 = arith.addi %shift_left3A_480, %parallel_loop3A_569 : vector<16xi32>
        %parallel_loop3A_575 = tpu.vector_load_idx %arg7[%broadcast_in_dim3A, %parallel_loop3A_573, %parallel_loop3A_574] : memref<4x128x128xf32, #tpu.memory_space<vmem>>[vector<16xi32>, vector<16xi32>, vector<16xi32>], vector<16xf32>,
        %parallel_loop3A_576 = arith.constant 8.000000e+00 : f32
        %parallel_loop3A_577 = vector.broadcast %parallel_loop3A_576 : f32 to vector<16xf32>
        %parallel_loop3A_578 = arith.mulf %parallel_loop3A_575, %parallel_loop3A_577 : vector<16xf32>
        %parallel_loop3A_579 = arith.index_cast %rem3A_459 : i32 to index
        %parallel_loop3A_580 = arith.index_cast %parallel_loop3A_568 : i32 to index
        %parallel_loop3A_581 = arith.constant 0 : index
        %parallel_loop3A_582 = tpu.vector_load %arg8[%parallel_loop3A_579, %parallel_loop3A_580, %parallel_loop3A_581] {strides = array<i32>} : memref<2x64x128xf32, #tpu.memory_space<vmem>>, vector<16xf32>,
        tpu.vector_store %arg8[%parallel_loop3A_579, %parallel_loop3A_580, %parallel_loop3A_581], %parallel_loop3A_578 {strides = array<i32>} : memref<2x64x128xf32, #tpu.memory_space<vmem>>, vector<16xf32>,
        %parallel_loop3A_583 = tpu.iota {dimensions = array<i32: 0>} : vector<16xi32>
        %parallel_loop3A_584 = arith.constant 16 : i32
        %parallel_loop3A_585 = vector.broadcast %parallel_loop3A_584 : i32 to vector<16xi32>
        %parallel_loop3A_586 = arith.addi %parallel_loop3A_583, %parallel_loop3A_585 : vector<16xi32>
        %parallel_loop3A_587 = arith.addi %shift_left3A_489, %parallel_loop3A_569 : vector<16xi32>
        %parallel_loop3A_588 = tpu.vector_load_idx %arg7[%broadcast_in_dim3A, %parallel_loop3A_586, %parallel_loop3A_587] : memref<4x128x128xf32, #tpu.memory_space<vmem>>[vector<16xi32>, vector<16xi32>, vector<16xi32>], vector<16xf32>,
        %parallel_loop3A_589 = arith.constant 8.000000e+00 : f32
        %parallel_loop3A_590 = vector.broadcast %parallel_loop3A_589 : f32 to vector<16xf32>
        %parallel_loop3A_591 = arith.mulf %parallel_loop3A_588, %parallel_loop3A_590 : vector<16xf32>
        %parallel_loop3A_592 = arith.index_cast %rem3A_459 : i32 to index
        %parallel_loop3A_593 = arith.index_cast %parallel_loop3A_568 : i32 to index
        %parallel_loop3A_594 = arith.constant 16 : index
        %parallel_loop3A_595 = tpu.vector_load %arg8[%parallel_loop3A_592, %parallel_loop3A_593, %parallel_loop3A_594] {strides = array<i32>} : memref<2x64x128xf32, #tpu.memory_space<vmem>>, vector<16xf32>,
        tpu.vector_store %arg8[%parallel_loop3A_592, %parallel_loop3A_593, %parallel_loop3A_594], %parallel_loop3A_591 {strides = array<i32>} : memref<2x64x128xf32, #tpu.memory_space<vmem>>, vector<16xf32>,
        %parallel_loop3A_596 = tpu.iota {dimensions = array<i32: 0>} : vector<16xi32>
        %parallel_loop3A_597 = arith.constant 32 : i32
        %parallel_loop3A_598 = vector.broadcast %parallel_loop3A_597 : i32 to vector<16xi32>
        %parallel_loop3A_599 = arith.addi %parallel_loop3A_596, %parallel_loop3A_598 : vector<16xi32>
        %parallel_loop3A_600 = arith.addi %shift_left3A_498, %parallel_loop3A_569 : vector<16xi32>
        %parallel_loop3A_601 = tpu.vector_load_idx %arg7[%broadcast_in_dim3A, %parallel_loop3A_599, %parallel_loop3A_600] : memref<4x128x128xf32, #tpu.memory_space<vmem>>[vector<16xi32>, vector<16xi32>, vector<16xi32>], vector<16xf32>,
        %parallel_loop3A_602 = arith.constant 8.000000e+00 : f32
        %parallel_loop3A_603 = vector.broadcast %parallel_loop3A_602 : f32 to vector<16xf32>
        %parallel_loop3A_604 = arith.mulf %parallel_loop3A_601, %parallel_loop3A_603 : vector<16xf32>
        %parallel_loop3A_605 = arith.index_cast %rem3A_459 : i32 to index
        %parallel_loop3A_606 = arith.index_cast %parallel_loop3A_568 : i32 to index
        %parallel_loop3A_607 = arith.constant 32 : index
        %parallel_loop3A_608 = tpu.vector_load %arg8[%parallel_loop3A_605, %parallel_loop3A_606, %parallel_loop3A_607] {strides = array<i32>} : memref<2x64x128xf32, #tpu.memory_space<vmem>>, vector<16xf32>,
        tpu.vector_store %arg8[%parallel_loop3A_605, %parallel_loop3A_606, %parallel_loop3A_607], %parallel_loop3A_604 {strides = array<i32>} : memref<2x64x128xf32, #tpu.memory_space<vmem>>, vector<16xf32>,
        %parallel_loop3A_609 = tpu.iota {dimensions = array<i32: 0>} : vector<16xi32>
        %parallel_loop3A_610 = arith.constant 48 : i32
        %parallel_loop3A_611 = vector.broadcast %parallel_loop3A_610 : i32 to vector<16xi32>
        %parallel_loop3A_612 = arith.addi %parallel_loop3A_609, %parallel_loop3A_611 : vector<16xi32>
        %parallel_loop3A_613 = arith.addi %shift_left3A_507, %parallel_loop3A_569 : vector<16xi32>
        %parallel_loop3A_614 = tpu.vector_load_idx %arg7[%broadcast_in_dim3A, %parallel_loop3A_612, %parallel_loop3A_613] : memref<4x128x128xf32, #tpu.memory_space<vmem>>[vector<16xi32>, vector<16xi32>, vector<16xi32>], vector<16xf32>,
        %parallel_loop3A_615 = arith.constant 8.000000e+00 : f32
        %parallel_loop3A_616 = vector.broadcast %parallel_loop3A_615 : f32 to vector<16xf32>
        %parallel_loop3A_617 = arith.mulf %parallel_loop3A_614, %parallel_loop3A_616 : vector<16xf32>
        %parallel_loop3A_618 = arith.index_cast %rem3A_459 : i32 to index
        %parallel_loop3A_619 = arith.index_cast %parallel_loop3A_568 : i32 to index
        %parallel_loop3A_620 = arith.constant 48 : index
        %parallel_loop3A_621 = tpu.vector_load %arg8[%parallel_loop3A_618, %parallel_loop3A_619, %parallel_loop3A_620] {strides = array<i32>} : memref<2x64x128xf32, #tpu.memory_space<vmem>>, vector<16xf32>,
        tpu.vector_store %arg8[%parallel_loop3A_618, %parallel_loop3A_619, %parallel_loop3A_620], %parallel_loop3A_617 {strides = array<i32>} : memref<2x64x128xf32, #tpu.memory_space<vmem>>, vector<16xf32>,
        %parallel_loop3A_622 = tpu.iota {dimensions = array<i32: 0>} : vector<16xi32>
        %parallel_loop3A_623 = arith.constant 64 : i32
        %parallel_loop3A_624 = vector.broadcast %parallel_loop3A_623 : i32 to vector<16xi32>
        %parallel_loop3A_625 = arith.addi %parallel_loop3A_622, %parallel_loop3A_624 : vector<16xi32>
        %parallel_loop3A_626 = arith.addi %shift_left3A_516, %parallel_loop3A_569 : vector<16xi32>
        %parallel_loop3A_627 = tpu.vector_load_idx %arg7[%broadcast_in_dim3A, %parallel_loop3A_625, %parallel_loop3A_626] : memref<4x128x128xf32, #tpu.memory_space<vmem>>[vector<16xi32>, vector<16xi32>, vector<16xi32>], vector<16xf32>,
        %parallel_loop3A_628 = arith.constant 8.000000e+00 : f32
        %parallel_loop3A_629 = vector.broadcast %parallel_loop3A_628 : f32 to vector<16xf32>
        %parallel_loop3A_630 = arith.mulf %parallel_loop3A_627, %parallel_loop3A_629 : vector<16xf32>
        %parallel_loop3A_631 = arith.index_cast %rem3A_459 : i32 to index
        %parallel_loop3A_632 = arith.index_cast %parallel_loop3A_568 : i32 to index
        %parallel_loop3A_633 = arith.constant 64 : index
        %parallel_loop3A_634 = tpu.vector_load %arg8[%parallel_loop3A_631, %parallel_loop3A_632, %parallel_loop3A_633] {strides = array<i32>} : memref<2x64x128xf32, #tpu.memory_space<vmem>>, vector<16xf32>,
        tpu.vector_store %arg8[%parallel_loop3A_631, %parallel_loop3A_632, %parallel_loop3A_633], %parallel_loop3A_630 {strides = array<i32>} : memref<2x64x128xf32, #tpu.memory_space<vmem>>, vector<16xf32>,
        %parallel_loop3A_635 = tpu.iota {dimensions = array<i32: 0>} : vector<16xi32>
        %parallel_loop3A_636 = arith.constant 80 : i32
        %parallel_loop3A_637 = vector.broadcast %parallel_loop3A_636 : i32 to vector<16xi32>
        %parallel_loop3A_638 = arith.addi %parallel_loop3A_635, %parallel_loop3A_637 : vector<16xi32>
        %parallel_loop3A_639 = arith.addi %shift_left3A_525, %parallel_loop3A_569 : vector<16xi32>
        %parallel_loop3A_640 = tpu.vector_load_idx %arg7[%broadcast_in_dim3A, %parallel_loop3A_638, %parallel_loop3A_639] : memref<4x128x128xf32, #tpu.memory_space<vmem>>[vector<16xi32>, vector<16xi32>, vector<16xi32>], vector<16xf32>,
        %parallel_loop3A_641 = arith.constant 8.000000e+00 : f32
        %parallel_loop3A_642 = vector.broadcast %parallel_loop3A_641 : f32 to vector<16xf32>
        %parallel_loop3A_643 = arith.mulf %parallel_loop3A_640, %parallel_loop3A_642 : vector<16xf32>
        %parallel_loop3A_644 = arith.index_cast %rem3A_459 : i32 to index
        %parallel_loop3A_645 = arith.index_cast %parallel_loop3A_568 : i32 to index
        %parallel_loop3A_646 = arith.constant 80 : index
        %parallel_loop3A_647 = tpu.vector_load %arg8[%parallel_loop3A_644, %parallel_loop3A_645, %parallel_loop3A_646] {strides = array<i32>} : memref<2x64x128xf32, #tpu.memory_space<vmem>>, vector<16xf32>,
        tpu.vector_store %arg8[%parallel_loop3A_644, %parallel_loop3A_645, %parallel_loop3A_646], %parallel_loop3A_643 {strides = array<i32>} : memref<2x64x128xf32, #tpu.memory_space<vmem>>, vector<16xf32>,
        %parallel_loop3A_648 = tpu.iota {dimensions = array<i32: 0>} : vector<16xi32>
        %parallel_loop3A_649 = arith.constant 96 : i32
        %parallel_loop3A_650 = vector.broadcast %parallel_loop3A_649 : i32 to vector<16xi32>
        %parallel_loop3A_651 = arith.addi %parallel_loop3A_648, %parallel_loop3A_650 : vector<16xi32>
        %parallel_loop3A_652 = arith.addi %shift_left3A_534, %parallel_loop3A_569 : vector<16xi32>
        %parallel_loop3A_653 = tpu.vector_load_idx %arg7[%broadcast_in_dim3A, %parallel_loop3A_651, %parallel_loop3A_652] : memref<4x128x128xf32, #tpu.memory_space<vmem>>[vector<16xi32>, vector<16xi32>, vector<16xi32>], vector<16xf32>,
        %parallel_loop3A_654 = arith.constant 8.000000e+00 : f32
        %parallel_loop3A_655 = vector.broadcast %parallel_loop3A_654 : f32 to vector<16xf32>
        %parallel_loop3A_656 = arith.mulf %parallel_loop3A_653, %parallel_loop3A_655 : vector<16xf32>
        %parallel_loop3A_657 = arith.index_cast %rem3A_459 : i32 to index
        %parallel_loop3A_658 = arith.index_cast %parallel_loop3A_568 : i32 to index
        %parallel_loop3A_659 = arith.constant 96 : index
        %parallel_loop3A_660 = tpu.vector_load %arg8[%parallel_loop3A_657, %parallel_loop3A_658, %parallel_loop3A_659] {strides = array<i32>} : memref<2x64x128xf32, #tpu.memory_space<vmem>>, vector<16xf32>,
        tpu.vector_store %arg8[%parallel_loop3A_657, %parallel_loop3A_658, %parallel_loop3A_659], %parallel_loop3A_656 {strides = array<i32>} : memref<2x64x128xf32, #tpu.memory_space<vmem>>, vector<16xf32>,
        %parallel_loop3A_661 = tpu.iota {dimensions = array<i32: 0>} : vector<16xi32>
        %parallel_loop3A_662 = arith.constant 112 : i32
        %parallel_loop3A_663 = vector.broadcast %parallel_loop3A_662 : i32 to vector<16xi32>
        %parallel_loop3A_664 = arith.addi %parallel_loop3A_661, %parallel_loop3A_663 : vector<16xi32>
        %parallel_loop3A_665 = arith.addi %shift_left3A_543, %parallel_loop3A_569 : vector<16xi32>
        %parallel_loop3A_666 = tpu.vector_load_idx %arg7[%broadcast_in_dim3A, %parallel_loop3A_664, %parallel_loop3A_665] : memref<4x128x128xf32, #tpu.memory_space<vmem>>[vector<16xi32>, vector<16xi32>, vector<16xi32>], vector<16xf32>,
        %parallel_loop3A_667 = arith.constant 8.000000e+00 : f32
        %parallel_loop3A_668 = vector.broadcast %parallel_loop3A_667 : f32 to vector<16xf32>
        %parallel_loop3A_669 = arith.mulf %parallel_loop3A_666, %parallel_loop3A_668 : vector<16xf32>
        %parallel_loop3A_670 = arith.index_cast %rem3A_459 : i32 to index
        %parallel_loop3A_671 = arith.index_cast %parallel_loop3A_568 : i32 to index
        %parallel_loop3A_672 = arith.constant 112 : index
        %parallel_loop3A_673 = tpu.vector_load %arg8[%parallel_loop3A_670, %parallel_loop3A_671, %parallel_loop3A_672] {strides = array<i32>} : memref<2x64x128xf32, #tpu.memory_space<vmem>>, vector<16xf32>,
        tpu.vector_store %arg8[%parallel_loop3A_670, %parallel_loop3A_671, %parallel_loop3A_672], %parallel_loop3A_669 {strides = array<i32>} : memref<2x64x128xf32, #tpu.memory_space<vmem>>, vector<16xf32>,
      } {sc.loop_unroll_factor = 8 : i64, sc.parallel_access}
      %dma_start3A_546 = arith.constant 0 : i32
      %dma_start3A_547 = arith.constant 0 : i32
      %dma_start3A_548 = tpu.memref_slice %arg8[%rem3A_459, %dma_start3A_546, %dma_start3A_547] : memref<2x64x128xf32, #tpu.memory_space<vmem>> -> memref<1x64x128xf32, #tpu.memory_space<vmem>>
      %dma_start3A_549 = tpu.memref_squeeze %dma_start3A_548 : memref<1x64x128xf32, #tpu.memory_space<vmem>> -> memref<64x128xf32, #tpu.memory_space<vmem>>
      %dma_start3A_550 = arith.constant 0 : i32
      %dma_start3A_551 = tpu.memref_slice %arg4[%add3A_456, %dma_start3A_550, %mul3A_2] : memref<200x64x4096xf32, #tpu.memory_space<hbm>> -> memref<1x64x128xf32, #tpu.memory_space<hbm>>
      %dma_start3A_552 = tpu.memref_squeeze %dma_start3A_551 : memref<1x64x128xf32, #tpu.memory_space<hbm>> -> memref<64x128xf32, #tpu.memory_space<hbm>>
      %dma_start3A_553 = tpu.memref_slice %arg10[%rem3A_459] : memref<2x!tpu.dma_semaphore, #tpu.memory_space<semaphore_mem>> -> memref<1x!tpu.dma_semaphore, #tpu.memory_space<semaphore_mem>>
      %dma_start3A_554 = tpu.memref_squeeze %dma_start3A_553 : memref<1x!tpu.dma_semaphore, #tpu.memory_space<semaphore_mem>> -> memref<!tpu.dma_semaphore, #tpu.memory_space<semaphore_mem>>
      %dma_start3A_555 = arith.constant 0 : i32
      %dma_start3A_556 = tpu.memref_slice %arg4[%add3A_456, %dma_start3A_555, %mul3A_2] : memref<200x64x4096xf32, #tpu.memory_space<hbm>> -> memref<1x64x128xf32, #tpu.memory_space<hbm>>
      %dma_start3A_557 = tpu.memref_squeeze %dma_start3A_556 : memref<1x64x128xf32, #tpu.memory_space<hbm>> -> memref<64x128xf32, #tpu.memory_space<hbm>>
      %dma_start3A_558 = arith.constant 0 : i32
      %dma_start3A_559 = arith.constant 0 : i32
      %dma_start3A_560 = tpu.memref_slice %arg8[%rem3A_459, %dma_start3A_558, %dma_start3A_559] : memref<2x64x128xf32, #tpu.memory_space<vmem>> -> memref<1x64x128xf32, #tpu.memory_space<vmem>>
      %dma_start3A_561 = tpu.memref_squeeze %dma_start3A_560 : memref<1x64x128xf32, #tpu.memory_space<vmem>> -> memref<64x128xf32, #tpu.memory_space<vmem>>
      tpu.enqueue_dma source(%dma_start3A_561 : memref<64x128xf32, #tpu.memory_space<vmem>>) target(%dma_start3A_557 : memref<64x128xf32, #tpu.memory_space<hbm>>) target_semaphore(%dma_start3A_554 : memref<!tpu.dma_semaphore, #tpu.memory_space<semaphore_mem>>)
      %add3A_562 = arith.constant 4 : i32
      %add3A_563 = arith.addi %add3A_456, %add3A_562 : i32
      %lt3A = arith.constant 200 : i32
      %lt3A_564 = arith.cmpi slt, %add3A_563, %lt3A : i32
      %convert_element_type3A_565 = arith.extui %lt3A_564 : i1 to i32
      %cond3A_566 = arith.constant 0 : i32
      %cond3A_567 = arith.cmpi ne, %convert_element_type3A_565, %cond3A_566 : i32
      scf.if %cond3A_567 {
        %add3A_568 = arith.constant 4 : i32
        %add3A_569 = arith.addi %add3A_456, %add3A_568 : i32
        %get3A_570 = arith.index_cast %add3A_569 : i32 to index
        %get3A_571 = arith.constant 0 : index
        %get3A_572 = tpu.vector_load %arg5[%get3A_570, %get3A_571] {strides = array<i32>} : memref<200x128xi32, #tpu.memory_space<vmem>>, vector<16xi32>,
        %shift_right_logical3A_573 = arith.constant 1 : i32
        %shift_right_logical3A_574 = vector.broadcast %shift_right_logical3A_573 : i32 to vector<16xi32>
        %shift_right_logical3A_575 = arith.shrui %get3A_572, %shift_right_logical3A_574 : vector<16xi32>
        %swap3A_576 = arith.index_cast %rem3A_457 : i32 to index
        %swap3A_577 = arith.constant 0 : index
        %swap3A_578 = tpu.vector_load %arg6[%swap3A_576, %swap3A_577] {strides = array<i32>} : memref<4x128xi32, #tpu.memory_space<vmem>>, vector<16xi32>,
        tpu.vector_store %arg6[%swap3A_576, %swap3A_577], %shift_right_logical3A_575 {strides = array<i32>} : memref<4x128xi32, #tpu.memory_space<vmem>>, vector<16xi32>,
        %get3A_579 = arith.index_cast %add3A_569 : i32 to index
        %get3A_580 = arith.constant 16 : index
        %get3A_581 = tpu.vector_load %arg5[%get3A_579, %get3A_580] {strides = array<i32>} : memref<200x128xi32, #tpu.memory_space<vmem>>, vector<16xi32>,
        %shift_right_logical3A_582 = arith.constant 1 : i32
        %shift_right_logical3A_583 = vector.broadcast %shift_right_logical3A_582 : i32 to vector<16xi32>
        %shift_right_logical3A_584 = arith.shrui %get3A_581, %shift_right_logical3A_583 : vector<16xi32>
        %swap3A_585 = arith.index_cast %rem3A_457 : i32 to index
        %swap3A_586 = arith.constant 16 : index
        %swap3A_587 = tpu.vector_load %arg6[%swap3A_585, %swap3A_586] {strides = array<i32>} : memref<4x128xi32, #tpu.memory_space<vmem>>, vector<16xi32>,
        tpu.vector_store %arg6[%swap3A_585, %swap3A_586], %shift_right_logical3A_584 {strides = array<i32>} : memref<4x128xi32, #tpu.memory_space<vmem>>, vector<16xi32>,
        %get3A_588 = arith.index_cast %add3A_569 : i32 to index
        %get3A_589 = arith.constant 32 : index
        %get3A_590 = tpu.vector_load %arg5[%get3A_588, %get3A_589] {strides = array<i32>} : memref<200x128xi32, #tpu.memory_space<vmem>>, vector<16xi32>,
        %shift_right_logical3A_591 = arith.constant 1 : i32
        %shift_right_logical3A_592 = vector.broadcast %shift_right_logical3A_591 : i32 to vector<16xi32>
        %shift_right_logical3A_593 = arith.shrui %get3A_590, %shift_right_logical3A_592 : vector<16xi32>
        %swap3A_594 = arith.index_cast %rem3A_457 : i32 to index
        %swap3A_595 = arith.constant 32 : index
        %swap3A_596 = tpu.vector_load %arg6[%swap3A_594, %swap3A_595] {strides = array<i32>} : memref<4x128xi32, #tpu.memory_space<vmem>>, vector<16xi32>,
        tpu.vector_store %arg6[%swap3A_594, %swap3A_595], %shift_right_logical3A_593 {strides = array<i32>} : memref<4x128xi32, #tpu.memory_space<vmem>>, vector<16xi32>,
        %get3A_597 = arith.index_cast %add3A_569 : i32 to index
        %get3A_598 = arith.constant 48 : index
        %get3A_599 = tpu.vector_load %arg5[%get3A_597, %get3A_598] {strides = array<i32>} : memref<200x128xi32, #tpu.memory_space<vmem>>, vector<16xi32>,
        %shift_right_logical3A_600 = arith.constant 1 : i32
        %shift_right_logical3A_601 = vector.broadcast %shift_right_logical3A_600 : i32 to vector<16xi32>
        %shift_right_logical3A_602 = arith.shrui %get3A_599, %shift_right_logical3A_601 : vector<16xi32>
        %swap3A_603 = arith.index_cast %rem3A_457 : i32 to index
        %swap3A_604 = arith.constant 48 : index
        %swap3A_605 = tpu.vector_load %arg6[%swap3A_603, %swap3A_604] {strides = array<i32>} : memref<4x128xi32, #tpu.memory_space<vmem>>, vector<16xi32>,
        tpu.vector_store %arg6[%swap3A_603, %swap3A_604], %shift_right_logical3A_602 {strides = array<i32>} : memref<4x128xi32, #tpu.memory_space<vmem>>, vector<16xi32>,
        %get3A_606 = arith.index_cast %add3A_569 : i32 to index
        %get3A_607 = arith.constant 64 : index
        %get3A_608 = tpu.vector_load %arg5[%get3A_606, %get3A_607] {strides = array<i32>} : memref<200x128xi32, #tpu.memory_space<vmem>>, vector<16xi32>,
        %shift_right_logical3A_609 = arith.constant 1 : i32
        %shift_right_logical3A_610 = vector.broadcast %shift_right_logical3A_609 : i32 to vector<16xi32>
        %shift_right_logical3A_611 = arith.shrui %get3A_608, %shift_right_logical3A_610 : vector<16xi32>
        %swap3A_612 = arith.index_cast %rem3A_457 : i32 to index
        %swap3A_613 = arith.constant 64 : index
        %swap3A_614 = tpu.vector_load %arg6[%swap3A_612, %swap3A_613] {strides = array<i32>} : memref<4x128xi32, #tpu.memory_space<vmem>>, vector<16xi32>,
        tpu.vector_store %arg6[%swap3A_612, %swap3A_613], %shift_right_logical3A_611 {strides = array<i32>} : memref<4x128xi32, #tpu.memory_space<vmem>>, vector<16xi32>,
        %get3A_615 = arith.index_cast %add3A_569 : i32 to index
        %get3A_616 = arith.constant 80 : index
        %get3A_617 = tpu.vector_load %arg5[%get3A_615, %get3A_616] {strides = array<i32>} : memref<200x128xi32, #tpu.memory_space<vmem>>, vector<16xi32>,
        %shift_right_logical3A_618 = arith.constant 1 : i32
        %shift_right_logical3A_619 = vector.broadcast %shift_right_logical3A_618 : i32 to vector<16xi32>
        %shift_right_logical3A_620 = arith.shrui %get3A_617, %shift_right_logical3A_619 : vector<16xi32>
        %swap3A_621 = arith.index_cast %rem3A_457 : i32 to index
        %swap3A_622 = arith.constant 80 : index
        %swap3A_623 = tpu.vector_load %arg6[%swap3A_621, %swap3A_622] {strides = array<i32>} : memref<4x128xi32, #tpu.memory_space<vmem>>, vector<16xi32>,
        tpu.vector_store %arg6[%swap3A_621, %swap3A_622], %shift_right_logical3A_620 {strides = array<i32>} : memref<4x128xi32, #tpu.memory_space<vmem>>, vector<16xi32>,
        %get3A_624 = arith.index_cast %add3A_569 : i32 to index
        %get3A_625 = arith.constant 96 : index
        %get3A_626 = tpu.vector_load %arg5[%get3A_624, %get3A_625] {strides = array<i32>} : memref<200x128xi32, #tpu.memory_space<vmem>>, vector<16xi32>,
        %shift_right_logical3A_627 = arith.constant 1 : i32
        %shift_right_logical3A_628 = vector.broadcast %shift_right_logical3A_627 : i32 to vector<16xi32>
        %shift_right_logical3A_629 = arith.shrui %get3A_626, %shift_right_logical3A_628 : vector<16xi32>
        %swap3A_630 = arith.index_cast %rem3A_457 : i32 to index
        %swap3A_631 = arith.constant 96 : index
        %swap3A_632 = tpu.vector_load %arg6[%swap3A_630, %swap3A_631] {strides = array<i32>} : memref<4x128xi32, #tpu.memory_space<vmem>>, vector<16xi32>,
        tpu.vector_store %arg6[%swap3A_630, %swap3A_631], %shift_right_logical3A_629 {strides = array<i32>} : memref<4x128xi32, #tpu.memory_space<vmem>>, vector<16xi32>,
        %get3A_633 = arith.index_cast %add3A_569 : i32 to index
        %get3A_634 = arith.constant 112 : index
        %get3A_635 = tpu.vector_load %arg5[%get3A_633, %get3A_634] {strides = array<i32>} : memref<200x128xi32, #tpu.memory_space<vmem>>, vector<16xi32>,
        %shift_right_logical3A_636 = arith.constant 1 : i32
        %shift_right_logical3A_637 = vector.broadcast %shift_right_logical3A_636 : i32 to vector<16xi32>
        %shift_right_logical3A_638 = arith.shrui %get3A_635, %shift_right_logical3A_637 : vector<16xi32>
        %swap3A_639 = arith.index_cast %rem3A_457 : i32 to index
        %swap3A_640 = arith.constant 112 : index
        %swap3A_641 = tpu.vector_load %arg6[%swap3A_639, %swap3A_640] {strides = array<i32>} : memref<4x128xi32, #tpu.memory_space<vmem>>, vector<16xi32>,
        tpu.vector_store %arg6[%swap3A_639, %swap3A_640], %shift_right_logical3A_638 {strides = array<i32>} : memref<4x128xi32, #tpu.memory_space<vmem>>, vector<16xi32>,
        %dma_start3A_642 = arith.constant 0 : i32
        %dma_start3A_643 = arith.constant 0 : i32
        %dma_start3A_644 = tpu.memref_slice %arg7[%rem3A_457, %dma_start3A_642, %dma_start3A_643] : memref<4x128x128xf32, #tpu.memory_space<vmem>> -> memref<1x128x128xf32, #tpu.memory_space<vmem>>
        %dma_start3A_645 = tpu.memref_squeeze %dma_start3A_644 : memref<1x128x128xf32, #tpu.memory_space<vmem>> -> memref<128x128xf32, #tpu.memory_space<vmem>>
        %dma_start3A_646 = arith.constant 0 : i32
        %dma_start3A_647 = tpu.memref_slice %arg6[%rem3A_457, %dma_start3A_646] : memref<4x128xi32, #tpu.memory_space<vmem>> -> memref<1x128xi32, #tpu.memory_space<vmem>>
        %dma_start3A_648 = tpu.memref_squeeze %dma_start3A_647 : memref<1x128xi32, #tpu.memory_space<vmem>> -> memref<128xi32, #tpu.memory_space<vmem>>
        %dma_start3A_649 = arith.constant 0 : i32
        %dma_start3A_650 = arith.constant 0 : i32
        %dma_start3A_651 = tpu.memref_slice %arg3[%dma_start3A_649, %dma_start3A_650] : memref<500000x128xf32, #tpu.memory_space<hbm>> -> memref<500000x128xf32, #tpu.memory_space<hbm>>
        %dma_start3A_652 = tpu.memref_slice %arg9[%rem3A_457] : memref<4x!tpu.dma_semaphore, #tpu.memory_space<semaphore_mem>> -> memref<1x!tpu.dma_semaphore, #tpu.memory_space<semaphore_mem>>
        %dma_start3A_653 = tpu.memref_squeeze %dma_start3A_652 : memref<1x!tpu.dma_semaphore, #tpu.memory_space<semaphore_mem>> -> memref<!tpu.dma_semaphore, #tpu.memory_space<semaphore_mem>>
        tpu.enqueue_indirect_dma source(%dma_start3A_651 : memref<500000x128xf32, #tpu.memory_space<hbm>>) target(%dma_start3A_645 : memref<128x128xf32, #tpu.memory_space<vmem>>) offsets(%dma_start3A_648 : memref<128xi32, #tpu.memory_space<vmem>>) semaphore(%dma_start3A_653 : memref<!tpu.dma_semaphore, #tpu.memory_space<semaphore_mem>>)
      } else {
      }
    }
    %scan3A_414 = arith.constant 200 : i32
    %dma_wait3A = arith.constant 0 : i32
    %dma_wait3A_415 = arith.constant 198 : i32
    %dma_wait3A_416 = arith.constant 0 : i32
    %dma_wait3A_417 = arith.constant 0 : i32
    %dma_wait3A_418 = arith.constant 0 : i32
    %dma_wait3A_419 = tpu.memref_slice %arg8[%dma_wait3A, %dma_wait3A_417, %dma_wait3A_418] : memref<2x64x128xf32, #tpu.memory_space<vmem>> -> memref<1x64x128xf32, #tpu.memory_space<vmem>>
    %dma_wait3A_420 = tpu.memref_squeeze %dma_wait3A_419 : memref<1x64x128xf32, #tpu.memory_space<vmem>> -> memref<64x128xf32, #tpu.memory_space<vmem>>
    %dma_wait3A_421 = arith.constant 0 : i32
    %dma_wait3A_422 = tpu.memref_slice %arg4[%dma_wait3A_415, %dma_wait3A_421, %mul3A_2] : memref<200x64x4096xf32, #tpu.memory_space<hbm>> -> memref<1x64x128xf32, #tpu.memory_space<hbm>>
    %dma_wait3A_423 = tpu.memref_squeeze %dma_wait3A_422 : memref<1x64x128xf32, #tpu.memory_space<hbm>> -> memref<64x128xf32, #tpu.memory_space<hbm>>
    %dma_wait3A_424 = tpu.memref_slice %arg10[%dma_wait3A_416] : memref<2x!tpu.dma_semaphore, #tpu.memory_space<semaphore_mem>> -> memref<1x!tpu.dma_semaphore, #tpu.memory_space<semaphore_mem>>
    %dma_wait3A_425 = tpu.memref_squeeze %dma_wait3A_424 : memref<1x!tpu.dma_semaphore, #tpu.memory_space<semaphore_mem>> -> memref<!tpu.dma_semaphore, #tpu.memory_space<semaphore_mem>>
    %dma_wait3A_426 = arith.constant 0 : i32
    %dma_wait3A_427 = tpu.memref_slice %arg4[%dma_wait3A_415, %dma_wait3A_426, %mul3A_2] : memref<200x64x4096xf32, #tpu.memory_space<hbm>> -> memref<1x64x128xf32, #tpu.memory_space<hbm>>
    %dma_wait3A_428 = tpu.memref_squeeze %dma_wait3A_427 : memref<1x64x128xf32, #tpu.memory_space<hbm>> -> memref<64x128xf32, #tpu.memory_space<hbm>>
    %dma_wait3A_429 = arith.constant 0 : i32
    %dma_wait3A_430 = arith.constant 0 : i32
    %dma_wait3A_431 = tpu.memref_slice %arg8[%dma_wait3A, %dma_wait3A_429, %dma_wait3A_430] : memref<2x64x128xf32, #tpu.memory_space<vmem>> -> memref<1x64x128xf32, #tpu.memory_space<vmem>>
    %dma_wait3A_432 = tpu.memref_squeeze %dma_wait3A_431 : memref<1x64x128xf32, #tpu.memory_space<vmem>> -> memref<64x128xf32, #tpu.memory_space<vmem>>
    tpu.wait_dma2 semaphore(%dma_wait3A_425 : memref<!tpu.dma_semaphore, #tpu.memory_space<semaphore_mem>>) src(%dma_wait3A_432 : memref<64x128xf32, #tpu.memory_space<vmem>>) dst(%dma_wait3A_428 : memref<64x128xf32, #tpu.memory_space<hbm>>)
    %dma_wait3A_433 = arith.constant 1 : i32
    %dma_wait3A_434 = arith.constant 199 : i32
    %dma_wait3A_435 = arith.constant 1 : i32
    %dma_wait3A_436 = arith.constant 0 : i32
    %dma_wait3A_437 = arith.constant 0 : i32
    %dma_wait3A_438 = tpu.memref_slice %arg8[%dma_wait3A_433, %dma_wait3A_436, %dma_wait3A_437] : memref<2x64x128xf32, #tpu.memory_space<vmem>> -> memref<1x64x128xf32, #tpu.memory_space<vmem>>
    %dma_wait3A_439 = tpu.memref_squeeze %dma_wait3A_438 : memref<1x64x128xf32, #tpu.memory_space<vmem>> -> memref<64x128xf32, #tpu.memory_space<vmem>>
    %dma_wait3A_440 = arith.constant 0 : i32
    %dma_wait3A_441 = tpu.memref_slice %arg4[%dma_wait3A_434, %dma_wait3A_440, %mul3A_2] : memref<200x64x4096xf32, #tpu.memory_space<hbm>> -> memref<1x64x128xf32, #tpu.memory_space<hbm>>
    %dma_wait3A_442 = tpu.memref_squeeze %dma_wait3A_441 : memref<1x64x128xf32, #tpu.memory_space<hbm>> -> memref<64x128xf32, #tpu.memory_space<hbm>>
    %dma_wait3A_443 = tpu.memref_slice %arg10[%dma_wait3A_435] : memref<2x!tpu.dma_semaphore, #tpu.memory_space<semaphore_mem>> -> memref<1x!tpu.dma_semaphore, #tpu.memory_space<semaphore_mem>>
    %dma_wait3A_444 = tpu.memref_squeeze %dma_wait3A_443 : memref<1x!tpu.dma_semaphore, #tpu.memory_space<semaphore_mem>> -> memref<!tpu.dma_semaphore, #tpu.memory_space<semaphore_mem>>
    %dma_wait3A_445 = arith.constant 0 : i32
    %dma_wait3A_446 = tpu.memref_slice %arg4[%dma_wait3A_434, %dma_wait3A_445, %mul3A_2] : memref<200x64x4096xf32, #tpu.memory_space<hbm>> -> memref<1x64x128xf32, #tpu.memory_space<hbm>>
    %dma_wait3A_447 = tpu.memref_squeeze %dma_wait3A_446 : memref<1x64x128xf32, #tpu.memory_space<hbm>> -> memref<64x128xf32, #tpu.memory_space<hbm>>
    %dma_wait3A_448 = arith.constant 0 : i32
    %dma_wait3A_449 = arith.constant 0 : i32
    %dma_wait3A_450 = tpu.memref_slice %arg8[%dma_wait3A_433, %dma_wait3A_448, %dma_wait3A_449] : memref<2x64x128xf32, #tpu.memory_space<vmem>> -> memref<1x64x128xf32, #tpu.memory_space<vmem>>
    %dma_wait3A_451 = tpu.memref_squeeze %dma_wait3A_450 : memref<1x64x128xf32, #tpu.memory_space<vmem>> -> memref<64x128xf32, #tpu.memory_space<vmem>>
    tpu.wait_dma2 semaphore(%dma_wait3A_444 : memref<!tpu.dma_semaphore, #tpu.memory_space<semaphore_mem>>) src(%dma_wait3A_451 : memref<64x128xf32, #tpu.memory_space<vmem>>) dst(%dma_wait3A_447 : memref<64x128xf32, #tpu.memory_space<hbm>>)
    return
  }
}

</mosaic_0001>

<sc_bundles>
// kernel: _emb_call.3.cloned.1.call-start
scs
__scs_entry_jumppad:
0x0: {  	(pc) =	sbr.rel $0x88, $3  }
0x1: {  	(tag) =	ssettag $0x0;
	lr =	simm.s32 $0x1  }
0x2: {  	[smem:$0x3F9F] =	sst lr;
	_ =	strace $0xD0000000  }
0x3: {  	_ = 	snop  }
0x4: {  	_ = 	snop  }
0x5: {  	_ = 	snop  }
0x6: {  	_ = 	snop  }
0x7: {  	_ = 	snop  }
__scs_overlays_trampoline_lowered:
0x8: {  	[smem:$0x3FAE] =	sst s0  }
0x9: {  	[smem:$0x3FAF] =	sst s1  }
0xa: {  	[smem:$0x3FB0] =	sst s2  }
0xb: {  	[smem:$0x3FB1] =	sst s3  }
0xc: {  	[smem:$0x3FB2] =	sst s4  }
0xd: {  	[smem:$0x3FB3] =	sst s5  }
0xe: {  	[smem:$0x3FB4] =	sst s6  }
0xf: {  	[smem:$0x3FB5] =	sst s7  }
0x10: {  	[smem:$0x3FB6] =	sst s8  }
0x11: {  	[smem:$0x3FB7] =	sst s9;
	s0 =	simm.s32 @!p0 $0x0  }
0x12: {  	s1 =	sld [smem:$0x3F9D];
	s0 =	simm.s32 @p0 $0x1  }
0x13: {  	[smem:$0x3FB8] =	sst s0;
	s0 =	simm.s32 @!p1 $0x0  }
0x14: {  	s2 =	sld [smem:$0x3F9C];
	s0 =	simm.s32 @p1 $0x1  }
0x15: {  	[smem:$0x3FB9] =	sst s0;
	s0 =	simm.s32 @!p2 $0x0  }
0x16: {  	s3 =	sld [smem:$0x3FDB];
	s0 =	simm.s32 @p2 $0x1  }
0x17: {  	s4 =	simm.s32 $0x1BF5;
	[smem:$0x3FBB] =	sst s0  }
0x18: {  	s0 =	sld [smem:$0x3F9E];
	_ =	swait.ge [sflag:s4], $0x0  }
0x19: {  	s7 =	sld [smem:$0x3F9F]  }
0x1a: {  	s8 =	sadd.s32 $0xFFFFE003, lr  }
0x1b: {  	s9 =	sadd.s32 $0xFFFFFEF7, lr;
	s5 =	simm.s32 $0xFFFFFFFF;
	p2 =	slt.u32 s8, $0xFFFFF086  }
0x1c: {  	p1 =	slt.u32 s9, $0xF7A;
	s5 =	simm.s32 @!p2 $0x0  }
0x1d: {  	s5 =	simm.s32 @p1 $0x1;
	p0 =	seq.s32 s7, s2  }
0x1e: {  	s7 =	smul.u32 @!p0 $0xF7A, s2;
	p2 =	seq.s32 @!p0 s5, $0x0  }
0x1f: {  	s9 =	smul.u32 $0xF7A, s1;
	s8 =	simm.s32 @!p0 $0x1BF5;
	p2 =	por !p2, p0  }
0x20: {  	[sflag:s8] =	ssyncset.s32 @!p0 $0xFFFFF086;
	s6 =	sadd.s32 @!p0 s3, s7;
	s7 =	simm.s32 @!p0 $0x108  }
0x21: {  	s3 =	sadd.s32 s3, s9;
	s6 =	sadd.s32 @!p0 $0x88, s6;
	s7 =	simm.s32 @p2 $0x1082  }
0x22: {  	[simem:s7], [sflag:s8] =	dma.local @!p0 [hbm:s6], $0xF7A  }
0x23: {  	s9 =	sor.u32 $0xD0000000, s2;
	s6 =	simm.s32 $0x108;
	_ =	swait.ge @!p0 [sflag:s8], $0x0  }
0x24: {  	s3 =	sadd.s32 $0x88, s3;
	s6 =	simm.s32 @!p1 $0x1082;
	[sflag:s4] =	ssyncset.s32 $0xFFFFF086  }
0x25: {  	[simem:s6], [sflag:s4] =	dma.local [hbm:s3], $0xF7A  }
0x26: {  	[smem:$0x3F9F] =	sst s1;
	(tag) =	ssettag s2;
	_ =	strace s9  }
0x27: {  	s1 =	sld [smem:$0x3FAF]  }
0x28: {  	s2 =	sld [smem:$0x3FB0]  }
0x29: {  	s4 =	sld [smem:$0x3FB2]  }
0x2a: {  	p0 =	seq.s32 s5, $0x0;
	s5 =	sld [smem:$0x3FB3]  }
0x2b: {  	s6 =	sld [smem:$0x3FB4]  }
0x2c: {  	s7 =	sld [smem:$0x3FB5]  }
0x2d: {  	s3 =	simm.s32 $0x108;
	s8 =	sld [smem:$0x3FB6]  }
0x2e: {  	s3 =	simm.s32 @!p0 $0x1082;
	s9 =	sld [smem:$0x3FB7]  }
0x2f: {  	lr =	sadd.s32 s0, s3;
	s0 =	sld [smem:$0x3FAE]  }
0x30: {  	s3 =	sld [smem:$0x3FB1]  }
0x31: {  	[smem:$0x3FBA] =	sst s10  }
0x32: {  	s10 =	sld [smem:$0x3FB8];
	_ =	sdelay $0x3  }
0x33: {  	p0 =	seq.s32 s10, $0x1;
	s10 =	sld [smem:$0x3FBA];
	_ =	sdelay $0x3  }
0x34: {  	[smem:$0x3FBA] =	sst s10  }
0x35: {  	s10 =	sld [smem:$0x3FB9];
	_ =	sdelay $0x3  }
0x36: {  	p1 =	seq.s32 s10, $0x1;
	s10 =	sld [smem:$0x3FBA];
	_ =	sdelay $0x3  }
0x37: {  	[smem:$0x3FBA] =	sst s10  }
0x38: {  	s10 =	sld [smem:$0x3FBB]  }
0x39: {  	_ = 	snop;
	(pc) =	sbr.ind lr, $3  }
0x3a: {  	_ = 	snop  }
0x3b: {  	_ = 	snop  }
0x3c: {  	p2 =	seq.s32 s10, $0x1;
	s10 =	sld [smem:$0x3FBA]  }
0x3d: {  	_ =	shalt  }
0x3e: {  	_ =	shalt  }
0x3f: {  	_ =	shalt  }
0x40: {  	_ =	shalt  }
0x41: {  	_ =	shalt  }
0x42: {  	_ =	shalt  }
0x43: {  	_ =	shalt  }
0x44: {  	_ =	shalt  }
0x45: {  	_ =	shalt  }
0x46: {  	_ =	shalt  }
0x47: {  	_ =	shalt  }
0x48: {  	_ =	shalt  }
0x49: {  	_ =	shalt  }
0x4a: {  	_ =	shalt  }
0x4b: {  	_ =	shalt  }
0x4c: {  	_ =	shalt  }
0x4d: {  	_ =	shalt  }
0x4e: {  	_ =	shalt  }
0x4f: {  	_ =	shalt  }
0x50: {  	_ =	shalt  }
0x51: {  	_ =	shalt  }
0x52: {  	_ =	shalt  }
0x53: {  	_ =	shalt  }
0x54: {  	_ =	shalt  }
0x55: {  	_ =	shalt  }
0x56: {  	_ =	shalt  }
0x57: {  	_ =	shalt  }
0x58: {  	_ =	shalt  }
0x59: {  	_ =	shalt  }
0x5a: {  	_ =	shalt  }
0x5b: {  	_ =	shalt  }
0x5c: {  	_ =	shalt  }
0x5d: {  	_ =	shalt  }
0x5e: {  	_ =	shalt  }
0x5f: {  	_ =	shalt  }
0x60: {  	_ =	shalt  }
0x61: {  	_ =	shalt  }
0x62: {  	_ =	shalt  }
0x63: {  	_ =	shalt  }
0x64: {  	_ =	shalt  }
0x65: {  	_ =	shalt  }
0x66: {  	_ =	shalt  }
0x67: {  	_ =	shalt  }
0x68: {  	_ =	shalt  }
0x69: {  	_ =	shalt  }
0x6a: {  	_ =	shalt  }
0x6b: {  	_ =	shalt  }
0x6c: {  	_ =	shalt  }
0x6d: {  	_ =	shalt  }
0x6e: {  	_ =	shalt  }
0x6f: {  	_ =	shalt  }
0x70: {  	_ =	shalt  }
0x71: {  	_ =	shalt  }
0x72: {  	_ =	shalt  }
0x73: {  	_ =	shalt  }
0x74: {  	_ =	shalt  }
0x75: {  	_ =	shalt  }
0x76: {  	_ =	shalt  }
0x77: {  	_ =	shalt  }
0x78: {  	_ =	shalt  }
0x79: {  	_ =	shalt  }
0x7a: {  	_ =	shalt  }
0x7b: {  	_ =	shalt  }
0x7c: {  	_ =	shalt  }
0x7d: {  	_ =	shalt  }
0x7e: {  	_ =	shalt  }
0x7f: {  	_ =	shalt  }
0x80: {  	_ =	shalt  }
0x81: {  	_ =	shalt  }
0x82: {  	_ =	shalt  }
0x83: {  	_ =	shalt  }
0x84: {  	_ =	shalt  }
0x85: {  	_ =	shalt  }
0x86: {  	_ =	shalt  }
0x87: {  	_ =	shalt  }
.Lfunc_end0:
.L_simem_size_0:
called_computation_lowered:
.L_overlay_start_0:
0x88: {  	s2 =	sld [smem:$0x3FD9]  }
0x89: {  	s3 =	sld [smem:$0x3FFE];
	_ =	sdelay $0x1  }
0x8a: {  	s1 =	srdreg.scid  }
0x8b: {  	s0 =	sand.u32 $0x1, s1  }
0x8c: {  	s18 =	sshll.u32 s0, $0xA;
	s2 =	sadd.s32 s3, s2  }
0x8d: {  	s2 =	sadd.s32 s2, s18  }
0x8e: {  	[smem:$0x3FC6] =	sst s2  }
0x8f: {  	_ = 	snop  }
0x90: {  	s2 =	sld [smem:$0x3FC9]  }
0x91: {  	s19 =	sld [smem:$0x3FC8]  }
0x92: {  	s4 =	sld [smem:$0x3FD0];
	(tm) =	ssettm $0x1  }
0x93: {  	s5 =	sld [smem:$0x3FFB];
	_ =	sdelay $0x3  }
0x94: {  	_ =	strace s5  }
0x95: {  	s5 =	sld [smem:$0x3FFC];
	_ =	sdelay $0x3  }
0x96: {  	_ =	strace s5  }
0x97: {  	s5 =	sld [smem:$0x3FFD];
	_ =	sdelay $0x3  }
0x98: {  	_ =	strace s5  }
0x99: {  	_ =	strace $0x8FFFFFFF  }
0x9a: {  	s20 =	sld [smem:$0x3FDB];
	_ =	sdelay $0x1  }
0x9b: {  	s6 =	simm.s32 $_scs_section_size  }
0x9c: {  	s7 =	simm.s32 $_size__tile_overlayer_lowered;
	s8 =	simm.s32 $_tile_overlayer_lowered  }
0x9d: {  	s23 =	simm.s32 $0x1BFF;
	s22 =	sshll.u32 s8, $0x1;
	s5 =	sadd.s32 s6, s20  }
0x9e: {  	s9 =	simm.s32 $0x0;
	s21 =	sshll.u32 s7, $0x1;
	s7 =	sadd.s32 s22, s5  }
0x9f: {  	[timem:s9], [sflag:s23] =	dma.local [hbm:s7], s21  }
0xa0: {  	_ =	swait.ge [sflag:s23], s21  }
0xa1: {  	s6 =	ssub.s32 $0x0, s21;
	[sflag:s23] =	ssyncset.done $0x0  }
0xa2: {  	[sflag:s23] =	ssyncadd.s32 s6;
	_ =	sdelay $0x1  }
0xa3: {  	s24 =	simm.s32 $0x1B8B  }
0xa4: {  	_ =	swait.ge [sflag:s24], $0x1  }
0xa5: {  	[sflag:s24] =	ssyncset.done $0x0  }
0xa6: {  	s25 =	simm.s32 $0x1B8E;
	[sflag:s24] =	ssyncadd.s32 $0xFFFFFFFF  }
0xa7: {  	s26 =	simm.s32 $execute0_lowered;
	[smem:$0x3FD2] =	sst s25  }
0xa8: {  	s6 =	sshll.u32 s26, $0x1;
	_ =	strace $0x80000046;
	[dreg:$0x1] =	wrdreg $0xFFFFFFFF  }
0xa9: {  	s28 =	simm.s32 $_size_execute0_lowered;
	s5 =	sadd.s32 s5, s6;
	[dreg:$0x0] =	wrdreg $0x0  }
0xaa: {  	s6 =	sshll.u32 s28, $0x1;
	[dreg:$0x2] =	wrdreg s5  }
0xab: {  	[dreg:$0x3] =	wrdreg s6  }
0xac: {  	[dreg:$0x4] =	wrdreg $0xC0  }
0xad: {  	_ =	task [dreg:s9], $0x5FFFF  }
0xae: {  	[dreg:$0x1] =	wrdreg $0xFFFFFFFF  }
0xaf: {  	[dreg:$0x0] =	wrdreg $0x60  }
0xb0: {  	[dreg:$0x2] =	wrdreg s2  }
0xb1: {  	[dreg:$0x3] =	wrdreg s19  }
0xb2: {  	[dreg:$0x4] =	wrdreg s4  }
0xb3: {  	[dreg:$0x5] =	wrdreg $0x9  }
0xb4: {  	_ =	task.clear_ibuf [dreg:s9], $0x6FFFF;
	_ =	strace $0x90000046  }
0xb5: {  	s29 =	simm.s32 $0x9;
	_ =	strace $0x80000048  }
0xb6: {  	_ =	swait.ge [sflag:s29], $0x1  }
0xb7: {  	[sflag:s29] =	ssyncadd.s32 $0xFFFFFFFF  }
0xb8: {  	_ =	strace $0x90000048  }
0xb9: {  	_ =	sfence  }
0xba: {  	s30 =	sld [smem:$0x0];
	_ =	sdelay $0x2  }
0xbb: {  	s31 =	sshll.u32 s1, $0xD;
	s1 =	sshrl.u32 s1, $0x2  }
0xbc: {  	s3 =	sand.u32 $0x4000, s31;
	s1 =	sadd.s32 s1, s30  }
0xbd: {  	s0 =	sor.u32 s3, s0;
	s1 =	sshll.u32 s1, $0x11  }
0xbe: {  	s0 =	sor.u32 s1, s0  }
0xbf: {  	s0 =	sadd.s32 $0x8F2B, s0  }
0xc0: {  	[sflag:s0] =	ssyncadd.remote.s32 $0x1  }
0xc1: {  	_ =	sfence.sel $0xFFFF  }
0xc2: {  	[dreg:$0x0] =	wrdreg $0xFFFFFFFF;
	(pc) =	sbr.abs _section_cstart, $3  }
0xc3: {  	[dreg:$0x1] =	wrdreg $0xFFFFFFFF  }
0xc4: {  	_ =	task.clear_ibuf [dreg:s9], $0x2FFFF;
	_ =	strace $0x9FFFFFFF  }
0xc5: {  	(tm) =	ssettm $0x7FFFFFFF  }
tec
execute0_lowered:
.L_overlay_start_1:
0x0: {  	(tag) =	ssettag $0x1  }
0x1: {  	s0 =	rddreg [dreg:$0x0]  }
0x2: {  	s2 =	rddreg [dreg:$0x1]  }
0x3: {  	s3 =	rddreg [dreg:$0x2];
	s1 =	srdreg.scid  }
0x4: {  	s5 =	stileid.u32;
	s7 =	simm.s32 $0x0;
	s1 =	sand.u32 $0x1, s1  }
0x5: {  	v0 =	vlaneseq.u32;
	s5 =	sshll.u32 s5, $0xB;
	s4 =	ssub.s32 $0x2, s1;
	s1 =	sshll.u32 s1, $0xA  }
0x6: {  	s8 =	simm.s32 $0x400;
	s9 =	simm.s32 $0x8000;
	v0 =	vmul.u32 $0x80, v0;
	s5 =	sor.u32 s1, s5  }
0x7: {  	s13 =	simm.s32 $0x6600;
	s6 =	sshrl.u32 s4, $0x1;
	s30 =	sshrl.u32 s5, $0x3  }
0x8: {  	[smem:$0x7FF] =	sst s7;
	v1 =	vor.u32 $0x800, v0;
	s29 =	ssub.s32 s4, s6;
	s0 =	sadd.s32 s0, s30  }
0x9: {  	_ =	strace $0x80000047;
	v2 =	vor.u32 $0x1000, v0;
	v3 =	vor.u32 $0x1800, v0;
	v4 =	vor.u32 $0x2000, v0;
	s31 =	smax.u32 s29, $0x1;
	[dreg:$0x4] =	wrdreg s0  }
0xa: {  	s22 =	simm.s32 $0xF;
	v5 =	vor.u32 $0x2800, v0;
	v6 =	vor.u32 $0x3000, v0;
	v7 =	vor.u32 $0x3800, v0;
	s4 =	simm.s32 $0x0;
	[dreg:$0x5] =	wrdreg s31  }
.LBB2_1:
0xb: {  	[dreg:$0x6] =	wrdreg s4  }
0xc: {  	s0 =	simm.s32 $0x0;
	s1 =	rddreg [dreg:$0x4];
	s21 =	simm.s32 $0x7  }
0xd: {  	[tilespmem:s0], [sflag:$0x7] =	stream.strided.gather [hbm4b:s1+s8], $0x6400, s9, s8, $0x38;
	[tilespmem:$0x1A600] =	vst v63  }
0xe: {  	_ =	swait.ge [sflag:s21], $0x6400  }
0xf: {  	[sflag:s21] =	ssyncset.done $0x0  }
0x10: {  	[sflag:s21] =	ssyncadd.s32 $0xFFFF9C00  }
0x11: {  	v8 =	vld [tilespmem:$0x0]  }
0x12: {  	v9 =	vld [tilespmem:$0x10]  }
0x13: {  	v10 =	vld [tilespmem:$0x20]  }
0x14: {  	v11 =	vld [tilespmem:$0x30]  }
0x15: {  	v12 =	vld [tilespmem:$0x40]  }
0x16: {  	v13 =	vld [tilespmem:$0x50];
	v8 =	vshrl.u32 v8, $0x1  }
0x17: {  	v41 =	vld [tilespmem:$0x60];
	[tilespmem:$0x6400] =	vst v8;
	v8 =	vshrl.u32 v9, $0x1  }
0x18: {  	v42 =	vld [tilespmem:$0x70];
	[tilespmem:$0x6410] =	vst v8;
	v8 =	vshrl.u32 v10, $0x1  }
0x19: {  	[tilespmem:$0x6420] =	vst v8;
	v8 =	vshrl.u32 v11, $0x1  }
0x1a: {  	[tilespmem:$0x6430] =	vst v8;
	v8 =	vshrl.u32 v12, $0x1  }
0x1b: {  	[tilespmem:$0x6440] =	vst v8;
	v8 =	vshrl.u32 v13, $0x1  }
0x1c: {  	[tilespmem:$0x6450] =	vst v8;
	v8 =	vshrl.u32 v41, $0x1  }
0x1d: {  	[tilespmem:$0x6460] =	vst v8;
	v8 =	vshrl.u32 v42, $0x1  }
0x1e: {  	s23 =	simm.s32 $0x80;
	s24 =	simm.s32 $0x6400;
	[tilespmem:$0x6470] =	vst v8  }
0x1f: {  	[tilespmem:s13], [sflag:$0x1] =	stream.indirect.gather [hbm4b:s2+s23], $0x80, s24, s23, $0xb8;
	[tilespmem:$0x1A600] =	vst v63  }
0x20: {  	v8 =	vld [tilespmem:$0x80]  }
0x21: {  	v43 =	vld [tilespmem:$0x90]  }
0x22: {  	v44 =	vld [tilespmem:$0xA0]  }
0x23: {  	v45 =	vld [tilespmem:$0xB0]  }
0x24: {  	v46 =	vld [tilespmem:$0xC0]  }
0x25: {  	v47 =	vld [tilespmem:$0xD0];
	v8 =	vshrl.u32 v8, $0x1  }
0x26: {  	v48 =	vld [tilespmem:$0xE0];
	[tilespmem:$0x6480] =	vst v8;
	v8 =	vshrl.u32 v43, $0x1  }
0x27: {  	v49 =	vld [tilespmem:$0xF0];
	[tilespmem:$0x6490] =	vst v8;
	v8 =	vshrl.u32 v44, $0x1  }
0x28: {  	[tilespmem:$0x64A0] =	vst v8;
	v8 =	vshrl.u32 v45, $0x1  }
0x29: {  	[tilespmem:$0x64B0] =	vst v8;
	v8 =	vshrl.u32 v46, $0x1  }
0x2a: {  	[tilespmem:$0x64C0] =	vst v8;
	v8 =	vshrl.u32 v47, $0x1  }
0x2b: {  	[tilespmem:$0x64D0] =	vst v8;
	v8 =	vshrl.u32 v48, $0x1  }
0x2c: {  	[tilespmem:$0x64E0] =	vst v8;
	v8 =	vshrl.u32 v49, $0x1  }
0x2d: {  	s25 =	simm.s32 $0x6480;
	s26 =	simm.s32 $0xA600;
	[tilespmem:$0x64F0] =	vst v8  }
0x2e: {  	[tilespmem:s26], [sflag:$0x2] =	stream.indirect.gather [hbm4b:s2+s23], $0x80, s25, s23, $0xb8;
	[tilespmem:$0x1A600] =	vst v63  }
0x2f: {  	v8 =	vld [tilespmem:$0x100]  }
0x30: {  	v50 =	vld [tilespmem:$0x110]  }
0x31: {  	v51 =	vld [tilespmem:$0x120]  }
0x32: {  	v52 =	vld [tilespmem:$0x130]  }
0x33: {  	v53 =	vld [tilespmem:$0x140]  }
0x34: {  	v54 =	vld [tilespmem:$0x150];
	v8 =	vshrl.u32 v8, $0x1  }
0x35: {  	v55 =	vld [tilespmem:$0x160];
	[tilespmem:$0x6500] =	vst v8;
	v8 =	vshrl.u32 v50, $0x1  }
0x36: {  	v56 =	vld [tilespmem:$0x170];
	[tilespmem:$0x6510] =	vst v8;
	v8 =	vshrl.u32 v51, $0x1  }
0x37: {  	[tilespmem:$0x6520] =	vst v8;
	v8 =	vshrl.u32 v52, $0x1  }
0x38: {  	[tilespmem:$0x6530] =	vst v8;
	v8 =	vshrl.u32 v53, $0x1  }
0x39: {  	[tilespmem:$0x6540] =	vst v8;
	v8 =	vshrl.u32 v54, $0x1  }
0x3a: {  	[tilespmem:$0x6550] =	vst v8;
	v8 =	vshrl.u32 v55, $0x1  }
0x3b: {  	[tilespmem:$0x6560] =	vst v8;
	v8 =	vshrl.u32 v56, $0x1  }
0x3c: {  	s28 =	simm.s32 $0x6500;
	s29 =	simm.s32 $0xE600;
	[tilespmem:$0x6570] =	vst v8  }
0x3d: {  	[tilespmem:s29], [sflag:$0x3] =	stream.indirect.gather [hbm4b:s2+s23], $0x80, s28, s23, $0xb8;
	[tilespmem:$0x1A600] =	vst v63  }
0x3e: {  	v8 =	vld [tilespmem:$0x180]  }
0x3f: {  	v57 =	vld [tilespmem:$0x190]  }
0x40: {  	v58 =	vld [tilespmem:$0x1A0]  }
0x41: {  	v59 =	vld [tilespmem:$0x1B0]  }
0x42: {  	v60 =	vld [tilespmem:$0x1C0]  }
0x43: {  	v61 =	vld [tilespmem:$0x1D0];
	v8 =	vshrl.u32 v8, $0x1  }
0x44: {  	v62 =	vld [tilespmem:$0x1E0];
	[tilespmem:$0x6580] =	vst v8;
	v8 =	vshrl.u32 v57, $0x1  }
0x45: {  	v63 =	vld [tilespmem:$0x1F0];
	[tilespmem:$0x6590] =	vst v8;
	v8 =	vshrl.u32 v58, $0x1  }
0x46: {  	[tilespmem:$0x65A0] =	vst v8;
	v8 =	vshrl.u32 v59, $0x1  }
0x47: {  	[tilespmem:$0x65B0] =	vst v8;
	v8 =	vshrl.u32 v60, $0x1  }
0x48: {  	[tilespmem:$0x65C0] =	vst v8;
	v8 =	vshrl.u32 v61, $0x1  }
0x49: {  	[tilespmem:$0x65D0] =	vst v8;
	v8 =	vshrl.u32 v62, $0x1  }
0x4a: {  	[tilespmem:$0x65E0] =	vst v8;
	v8 =	vshrl.u32 v63, $0x1  }
0x4b: {  	s30 =	simm.s32 $0x6580;
	s31 =	simm.s32 $0x12600;
	[tilespmem:$0x65F0] =	vst v8  }
0x4c: {  	[tilespmem:s31], [sflag:$0x4] =	stream.indirect.gather [hbm4b:s2+s23], $0x80, s30, s23, $0xb8;
	[tilespmem:$0x1A600] =	vst v63  }
0x4d: {  	p0 =	por $0x0, $0x0;
	s23 =	simm.s32 $0x0  }
.LBB2_2:
0x4e: {  	s25 =	sand.u32 $0x3, s23  }
0x4f: {  	s24 =	sadd.s32 $0x1, s25  }
0x50: {  	_ =	swait.ge [sflag:s24], $0x4000  }
0x51: {  	s28 =	sand.u32 $0x1, s23;
	p1 =	slt.u32 s23, $0x2;
	[sflag:s24] =	ssyncset.done $0x0  }
0x52: {  	s0 =	sadd.s32 @!p1 $0x5, s28;
	[sflag:s24] =	ssyncadd.s32 $0xFFFFC000  }
0x53: {  	_ =	swait.ge @!p1 [sflag:s0], $0x2000  }
0x54: {  	s1 =	sshll.u32 s23, $0x9;
	[sflag:s0] =	ssyncset.done @!p1 $0x0  }
0x55: {  	s26 =	sshra.s32 s1, $0x2;
	[sflag:s0] =	ssyncadd.s32 @!p1 $0xFFFFE000  }
0x56: {  	v8 =	vld [tilespmem:s26+$0x0];
	_ =	sdelay $0x4  }
0x57: {  	v8 =	vshll.u32 v8, $0x6  }
0x58: {  	s17 =	sshll.u32 s25, $0xE;
	v8 =	vand.u32 $0x40, v8  }
0x59: {  	v8 =	vor.u32 s17, v8  }
0x5a: {  	s20 =	simm.s32 $0x0;
	v9 =	vld [tilespmem:s26+$0x10];
	v15 =	vor.u32 v0, v8  }
0x5b: {  	s19 =	simm.s32 $0x7;
	v10 =	vld [tilespmem:s26+$0x20];
	v8 =	vor.u32 s20, v15  }
0x5c: {  	s7 =	simm.s32 $0x1;
	v11 =	vld [tilespmem:s26+$0x30];
	v16 =	vor.u32 s19, v15  }
0x5d: {  	s10 =	simm.s32 $0x2;
	v19 =	vld [tilespmem:s26+$0x40];
	v17 =	vor.u32 s7, v15  }
0x5e: {  	s11 =	simm.s32 $0x3;
	v12 =	vld [tilespmem:s26+$0x50];
	v18 =	vor.u32 s10, v15  }
0x5f: {  	s18 =	simm.s32 $0x4;
	v13 =	vld [tilespmem:s26+$0x60];
	v20 =	vor.u32 s11, v15  }
0x60: {  	v22 =	vor.u32 s18, v15;
	v21 =	vld.idx.msk [tilespmem:v8+s13+$0x0], $0xffff  }
0x61: {  	s4 =	simm.s32 $0x6;
	v9 =	vshll.u32 v9, $0x6;
	v16 =	vld.idx.msk [tilespmem:v16+s13+$0x0], $0xffff  }
0x62: {  	s6 =	simm.s32 $0x5;
	v23 =	vor.u32 s4, v15;
	v8 =	vand.u32 $0x40, v9;
	v17 =	vld.idx.msk [tilespmem:v17+s13+$0x0], $0xffff  }
0x63: {  	s29 =	simm.s32 $0x8;
	v9 =	vor.u32 s6, v15;
	v18 =	vld.idx.msk [tilespmem:v18+s13+$0x0], $0xffff;
	v8 =	vor.u32 s17, v8  }
0x64: {  	s1 =	simm.s32 $0x1;
	v24 =	vor.u32 s29, v15;
	v20 =	vld.idx.msk [tilespmem:v20+s13+$0x0], $0xffff;
	v8 =	vor.u32 v1, v8  }
0x65: {  	s1 =	simm.s32 @!p0 $0x0;
	v22 =	vld.idx.msk [tilespmem:v22+s13+$0x0], $0xffff;
	v25 =	vor.u32 s19, v8  }
0x66: {  	s1 =	sshll.u32 s1, $0xD;
	v14 =	vld [tilespmem:s26+$0x70];
	v26 =	vor.u32 s7, v8;
	v16 =	vmul.f32 $8.000000000e+00, v16  }
0x67: {  	s30 =	sadd.s32 $0x16800, s1;
	v23 =	vld.idx.msk [tilespmem:v23+s13+$0x0], $0xffff;
	v27 =	vor.u32 s10, v8;
	v28 =	vmul.f32 $8.000000000e+00, v17  }
0x68: {  	v29 =	vor.u32 s11, v8;
	v9 =	vld.idx.msk [tilespmem:v9+s13+$0x0], $0xffff;
	v18 =	vmul.f32 $8.000000000e+00, v18;
	[tilespmem:s30+$0x180] =	vst v16  }
0x69: {  	v17 =	vld.idx.msk [tilespmem:v24+s13+$0x0], $0xffff;
	v24 =	vor.u32 s18, v8;
	[tilespmem:s30+$0xFFFFFE80] =	vst v28;
	v16 =	vmul.f32 $8.000000000e+00, v20  }
0x6a: {  	v10 =	vshll.u32 v10, $0x6;
	[tilespmem:s30+$0xFFFFFF00] =	vst v18;
	v18 =	vmul.f32 $8.000000000e+00, v22;
	v22 =	vor.u32 s4, v8;
	v25 =	vld.idx.msk [tilespmem:v25+s13+$0x0], $0xffff  }
0x6b: {  	v10 =	vand.u32 $0x40, v10;
	v21 =	vmul.f32 $8.000000000e+00, v21;
	v20 =	vor.u32 s6, v8;
	v26 =	vld.idx.msk [tilespmem:v26+s13+$0x0], $0xffff;
	[tilespmem:s30+$0xFFFFFF80] =	vst v16  }
0x6c: {  	s1 =	simm.s32 $0x9;
	v10 =	vor.u32 s17, v10;
	v28 =	vor.u32 s20, v8;
	v27 =	vld.idx.msk [tilespmem:v27+s13+$0x0], $0xffff;
	[tilespmem:s30+$0x0] =	vst v18;
	v18 =	vmul.f32 $8.000000000e+00, v23  }
0x6d: {  	[tilespmem:s30+$0xFFFFFE00] =	vst v21;
	v16 =	vmul.f32 $8.000000000e+00, v9;
	v9 =	vor.u32 v2, v10;
	v10 =	vor.u32 s1, v15;
	v29 =	vld.idx.msk [tilespmem:v29+s13+$0x0], $0xffff  }
0x6e: {  	v23 =	vld.idx.msk [tilespmem:v24+s13+$0x0], $0xffff;
	v24 =	vor.u32 s19, v9;
	[tilespmem:s30+$0x100] =	vst v18  }
0x6f: {  	v30 =	vor.u32 s7, v9;
	[tilespmem:s30+$0x80] =	vst v16;
	v21 =	vld.idx.msk [tilespmem:v22+s13+$0x0], $0xffff  }
0x70: {  	v18 =	vor.u32 s10, v9;
	v20 =	vld.idx.msk [tilespmem:v20+s13+$0x0], $0xffff;
	v22 =	vmul.f32 $8.000000000e+00, v25  }
0x71: {  	v25 =	vld.idx.msk [tilespmem:v28+s13+$0x0], $0xffff;
	v26 =	vmul.f32 $8.000000000e+00, v26;
	v28 =	vor.u32 s11, v9  }
0x72: {  	s31 =	simm.s32 $0x10;
	v16 =	vld.idx.msk [tilespmem:v10+s13+$0x0], $0xffff;
	v10 =	vmul.f32 $8.000000000e+00, v27;
	v27 =	vor.u32 s18, v9;
	[tilespmem:s30+$0x190] =	vst v22  }
0x73: {  	v11 =	vshll.u32 v11, $0x6;
	v58 =	vor.u32 s31, v15;
	[tilespmem:s30+$0xFFFFFE90] =	vst v26;
	v22 =	vmul.f32 $8.000000000e+00, v29;
	v24 =	vld.idx.msk [tilespmem:v24+s13+$0x0], $0xffff  }
0x74: {  	v11 =	vand.u32 $0x40, v11;
	v26 =	vor.u32 s6, v9;
	v23 =	vmul.f32 $8.000000000e+00, v23;
	v29 =	vld.idx.msk [tilespmem:v30+s13+$0x0], $0xffff;
	[tilespmem:s30+$0xFFFFFF10] =	vst v10  }
0x75: {  	v30 =	vor.u32 s4, v9;
	v10 =	vor.u32 s17, v11;
	[tilespmem:s30+$0xFFFFFF90] =	vst v22;
	v31 =	vld.idx.msk [tilespmem:v18+s13+$0x0], $0xffff  }
0x76: {  	s12 =	simm.s32 $0xA;
	v11 =	vor.u32 s20, v9;
	[tilespmem:s30+$0x10] =	vst v23;
	v21 =	vmul.f32 $8.000000000e+00, v21;
	v18 =	vmul.f32 $8.000000000e+00, v20;
	v22 =	vld.idx.msk [tilespmem:v28+s13+$0x0], $0xffff  }
0x77: {  	v10 =	vor.u32 v3, v10;
	v20 =	vor.u32 s12, v15;
	v23 =	vmul.f32 $8.000000000e+00, v25;
	v25 =	vld.idx.msk [tilespmem:v27+s13+$0x0], $0xffff  }
0x78: {  	[tilespmem:s30+$0x90] =	vst v18;
	v27 =	vor.u32 s19, v10;
	v60 =	vmul.f32 $8.000000000e+00, v16;
	v16 =	vld.idx.msk [tilespmem:v58+s13+$0x0], $0xffff  }
0x79: {  	v28 =	vor.u32 s7, v10;
	[tilespmem:s30+$0x110] =	vst v21;
	v26 =	vld.idx.msk [tilespmem:v26+s13+$0x0], $0xffff  }
0x7a: {  	v21 =	vor.u32 s10, v10;
	[tilespmem:s30+$0xFFFFFE10] =	vst v23;
	v23 =	vld.idx.msk [tilespmem:v30+s13+$0x0], $0xffff;
	v24 =	vmul.f32 $8.000000000e+00, v24  }
0x7b: {  	v30 =	vld.idx.msk [tilespmem:v11+s13+$0x0], $0xffff;
	v11 =	vmul.f32 $8.000000000e+00, v29;
	v29 =	vor.u32 s11, v10  }
0x7c: {  	v18 =	vld.idx.msk [tilespmem:v20+s13+$0x0], $0xffff;
	v20 =	vmul.f32 $8.000000000e+00, v31;
	v31 =	vor.u32 s18, v10;
	[tilespmem:s30+$0x1A0] =	vst v24  }
0x7d: {  	v19 =	vshll.u32 v19, $0x6;
	[tilespmem:s30+$0xFFFFFEA0] =	vst v11;
	v11 =	vmul.f32 $8.000000000e+00, v22;
	v22 =	vor.u32 s6, v10;
	v24 =	vld.idx.msk [tilespmem:v27+s13+$0x0], $0xffff  }
0x7e: {  	v19 =	vand.u32 $0x40, v19;
	v27 =	vld.idx.msk [tilespmem:v28+s13+$0x0], $0xffff;
	[tilespmem:s30+$0xFFFFFF20] =	vst v20;
	v20 =	vmul.f32 $8.000000000e+00, v25;
	v25 =	vor.u32 s4, v10  }
0x7f: {  	s14 =	simm.s32 $0xB;
	v19 =	vor.u32 s17, v19;
	v28 =	vor.u32 s20, v10;
	v21 =	vld.idx.msk [tilespmem:v21+s13+$0x0], $0xffff;
	[tilespmem:s30+$0xFFFFFFA0] =	vst v11;
	v26 =	vmul.f32 $8.000000000e+00, v26  }
0x80: {  	v11 =	vor.u32 v4, v19;
	v19 =	vor.u32 s14, v15;
	v29 =	vld.idx.msk [tilespmem:v29+s13+$0x0], $0xffff;
	[tilespmem:s30+$0x20] =	vst v20;
	v20 =	vmul.f32 $8.000000000e+00, v23  }
0x81: {  	v23 =	vmul.f32 $8.000000000e+00, v30;
	v30 =	vld.idx.msk [tilespmem:v31+s13+$0x0], $0xffff;
	[tilespmem:s30+$0xA0] =	vst v26;
	v26 =	vor.u32 s19, v11  }
0x82: {  	v31 =	vor.u32 s7, v11;
	v22 =	vld.idx.msk [tilespmem:v22+s13+$0x0], $0xffff;
	[tilespmem:s30+$0x120] =	vst v20  }
0x83: {  	[tilespmem:s30+$0xFFFFFE20] =	vst v23;
	v20 =	vor.u32 s10, v11;
	v23 =	vld.idx.msk [tilespmem:v25+s13+$0x0], $0xffff;
	v24 =	vmul.f32 $8.000000000e+00, v24  }
0x84: {  	v25 =	vld.idx.msk [tilespmem:v28+s13+$0x0], $0xffff;
	v27 =	vmul.f32 $8.000000000e+00, v27;
	v28 =	vor.u32 s11, v11  }
0x85: {  	v32 =	vor.u32 s18, v11;
	v19 =	vld.idx.msk [tilespmem:v19+s13+$0x0], $0xffff;
	v21 =	vmul.f32 $8.000000000e+00, v21;
	[tilespmem:s30+$0x1B0] =	vst v24  }
0x86: {  	[tilespmem:s30+$0xFFFFFEB0] =	vst v27;
	v24 =	vmul.f32 $8.000000000e+00, v29;
	v27 =	vor.u32 s6, v11;
	v26 =	vld.idx.msk [tilespmem:v26+s13+$0x0], $0xffff  }
0x87: {  	v12 =	vshll.u32 v12, $0x6;
	v29 =	vld.idx.msk [tilespmem:v31+s13+$0x0], $0xffff;
	[tilespmem:s30+$0xFFFFFF30] =	vst v21;
	v21 =	vmul.f32 $8.000000000e+00, v30;
	v30 =	vor.u32 s4, v11  }
0x88: {  	s15 =	simm.s32 $0xC;
	v12 =	vand.u32 $0x40, v12;
	v31 =	vor.u32 s20, v11;
	v20 =	vld.idx.msk [tilespmem:v20+s13+$0x0], $0xffff;
	[tilespmem:s30+$0xFFFFFFB0] =	vst v24;
	v22 =	vmul.f32 $8.000000000e+00, v22  }
0x89: {  	v12 =	vor.u32 s17, v12;
	v24 =	vor.u32 s15, v15;
	v28 =	vld.idx.msk [tilespmem:v28+s13+$0x0], $0xffff;
	[tilespmem:s30+$0x30] =	vst v21;
	v21 =	vmul.f32 $8.000000000e+00, v23  }
0x8a: {  	v12 =	vor.u32 v5, v12;
	v38 =	vor.u32 s14, v8;
	v23 =	vmul.f32 $8.000000000e+00, v25;
	v25 =	vld.idx.msk [tilespmem:v32+s13+$0x0], $0xffff;
	[tilespmem:s30+$0xB0] =	vst v22  }
0x8b: {  	v22 =	vor.u32 s19, v12;
	v27 =	vld.idx.msk [tilespmem:v27+s13+$0x0], $0xffff;
	[tilespmem:s30+$0x130] =	vst v21  }
0x8c: {  	v50 =	vor.u32 s7, v12;
	v19 =	vmul.f32 $8.000000000e+00, v19;
	[tilespmem:s30+$0xFFFFFE30] =	vst v23;
	v23 =	vld.idx.msk [tilespmem:v30+s13+$0x0], $0xffff  }
0x8d: {  	s0 =	sadd.s32 $0x400, s30;
	v21 =	vor.u32 s10, v12;
	v26 =	vmul.f32 $8.000000000e+00, v26;
	v30 =	vld.idx.msk [tilespmem:v31+s13+$0x0], $0xffff  }
0x8e: {  	v29 =	vmul.f32 $8.000000000e+00, v29;
	v31 =	vor.u32 s11, v12;
	[tilespmem:s0+$0xFFFFFF80] =	vst v19;
	v24 =	vld.idx.msk [tilespmem:v24+s13+$0x0], $0xffff  }
0x8f: {  	v33 =	vor.u32 s18, v12;
	v20 =	vmul.f32 $8.000000000e+00, v20;
	v63 =	vld.idx.msk [tilespmem:v38+s13+$0x0], $0xffff;
	[tilespmem:s30+$0x1C0] =	vst v26  }
0x90: {  	v13 =	vshll.u32 v13, $0x6;
	[tilespmem:s30+$0xFFFFFEC0] =	vst v29;
	v26 =	vmul.f32 $8.000000000e+00, v28;
	v28 =	vor.u32 s6, v12;
	v22 =	vld.idx.msk [tilespmem:v22+s13+$0x0], $0xffff  }
0x91: {  	v13 =	vand.u32 $0x40, v13;
	v29 =	vld.idx.msk [tilespmem:v50+s13+$0x0], $0xffff;
	[tilespmem:s30+$0xFFFFFF40] =	vst v20;
	v20 =	vmul.f32 $8.000000000e+00, v25;
	v25 =	vor.u32 s4, v12  }
0x92: {  	s16 =	simm.s32 $0xD;
	v13 =	vor.u32 s17, v13;
	v51 =	vor.u32 s20, v12;
	v21 =	vld.idx.msk [tilespmem:v21+s13+$0x0], $0xffff;
	[tilespmem:s30+$0xFFFFFFC0] =	vst v26;
	v26 =	vmul.f32 $8.000000000e+00, v27  }
0x93: {  	v13 =	vor.u32 v6, v13;
	v27 =	vor.u32 s16, v15;
	v31 =	vld.idx.msk [tilespmem:v31+s13+$0x0], $0xffff;
	[tilespmem:s30+$0x40] =	vst v20;
	v20 =	vmul.f32 $8.000000000e+00, v23  }
0x94: {  	v23 =	vmul.f32 $8.000000000e+00, v30;
	v30 =	vld.idx.msk [tilespmem:v33+s13+$0x0], $0xffff;
	[tilespmem:s30+$0xC0] =	vst v26;
	v26 =	vor.u32 s19, v13  }
0x95: {  	v52 =	vor.u32 s7, v13;
	v28 =	vld.idx.msk [tilespmem:v28+s13+$0x0], $0xffff;
	[tilespmem:s30+$0x140] =	vst v20  }
0x96: {  	[tilespmem:s30+$0xFFFFFE40] =	vst v23;
	v20 =	vor.u32 s10, v13;
	v23 =	vld.idx.msk [tilespmem:v25+s13+$0x0], $0xffff;
	v22 =	vmul.f32 $8.000000000e+00, v22  }
0x97: {  	v53 =	vor.u32 s11, v13;
	v25 =	vld.idx.msk [tilespmem:v51+s13+$0x0], $0xffff;
	v29 =	vmul.f32 $8.000000000e+00, v29  }
0x98: {  	v34 =	vor.u32 s18, v13;
	v27 =	vld.idx.msk [tilespmem:v27+s13+$0x0], $0xffff;
	v21 =	vmul.f32 $8.000000000e+00, v21;
	[tilespmem:s30+$0x1D0] =	vst v22  }
0x99: {  	v14 =	vshll.u32 v14, $0x6;
	v62 =	vor.u32 s29, v8;
	[tilespmem:s30+$0xFFFFFED0] =	vst v29;
	v22 =	vmul.f32 $8.000000000e+00, v31;
	v26 =	vld.idx.msk [tilespmem:v26+s13+$0x0], $0xffff  }
0x9a: {  	v14 =	vand.u32 $0x40, v14;
	v29 =	vor.u32 s6, v13;
	v31 =	vld.idx.msk [tilespmem:v52+s13+$0x0], $0xffff;
	[tilespmem:s30+$0xFFFFFF50] =	vst v21;
	v21 =	vmul.f32 $8.000000000e+00, v30  }
0x9b: {  	v14 =	vor.u32 s17, v14;
	v17 =	vmul.f32 $8.000000000e+00, v17;
	v30 =	vor.u32 s4, v13;
	v20 =	vld.idx.msk [tilespmem:v20+s13+$0x0], $0xffff;
	[tilespmem:s30+$0xFFFFFFD0] =	vst v22  }
0x9c: {  	v14 =	vor.u32 v7, v14;
	v54 =	vor.u32 s20, v13;
	v22 =	vmul.f32 $8.000000000e+00, v28;
	v32 =	vld.idx.msk [tilespmem:v53+s13+$0x0], $0xffff;
	[tilespmem:s30+$0x50] =	vst v21  }
0x9d: {  	v55 =	vor.u32 s22, v15;
	[tilespmem:s0+$0xFFFFFE00] =	vst v17;
	v21 =	vmul.f32 $8.000000000e+00, v23;
	v23 =	vmul.f32 $8.000000000e+00, v25;
	v25 =	vld.idx.msk [tilespmem:v34+s13+$0x0], $0xffff  }
0x9e: {  	s17 =	simm.s32 $0xE;
	[tilespmem:s30+$0xD0] =	vst v22;
	v22 =	vor.u32 s19, v14;
	v34 =	vld.idx.msk [tilespmem:v62+s13+$0x0], $0xffff  }
0x9f: {  	v28 =	vor.u32 s17, v15;
	v29 =	vld.idx.msk [tilespmem:v29+s13+$0x0], $0xffff;
	[tilespmem:s30+$0x150] =	vst v21;
	v26 =	vmul.f32 $8.000000000e+00, v26  }
0xa0: {  	[tilespmem:s30+$0xFFFFFE50] =	vst v23;
	v21 =	vor.u32 s7, v14;
	v23 =	vld.idx.msk [tilespmem:v30+s13+$0x0], $0xffff;
	v31 =	vmul.f32 $8.000000000e+00, v31  }
0xa1: {  	v56 =	vor.u32 s10, v14;
	v30 =	vld.idx.msk [tilespmem:v54+s13+$0x0], $0xffff;
	[tilespmem:s30+$0x1E0] =	vst v26  }
0xa2: {  	v20 =	vmul.f32 $8.000000000e+00, v20;
	v26 =	vor.u32 s18, v14;
	[tilespmem:s30+$0xFFFFFEE0] =	vst v31;
	v31 =	vld.idx.msk [tilespmem:v55+s13+$0x0], $0xffff  }
0xa3: {  	v35 =	vor.u32 s11, v14;
	[tilespmem:s0+$0xFFFFFE80] =	vst v60;
	v36 =	vld.idx.msk [tilespmem:v22+s13+$0x0], $0xffff;
	v22 =	vmul.f32 $8.000000000e+00, v32  }
0xa4: {  	v57 =	vor.u32 s6, v14;
	v28 =	vld.idx.msk [tilespmem:v28+s13+$0x0], $0xffff;
	[tilespmem:s30+$0xFFFFFF60] =	vst v20;
	v20 =	vmul.f32 $8.000000000e+00, v25  }
0xa5: {  	v25 =	vld.idx.msk [tilespmem:v21+s13+$0x0], $0xffff;
	[tilespmem:s30+$0xFFFFFFE0] =	vst v22;
	v22 =	vmul.f32 $8.000000000e+00, v29;
	v29 =	vor.u32 s20, v14  }
0xa6: {  	v37 =	vor.u32 s22, v8;
	v33 =	vld.idx.msk [tilespmem:v56+s13+$0x0], $0xffff;
	[tilespmem:s30+$0x60] =	vst v20;
	v30 =	vmul.f32 $8.000000000e+00, v30  }
0xa7: {  	v20 =	vmul.f32 $8.000000000e+00, v23;
	[tilespmem:s30+$0xE0] =	vst v22;
	v22 =	vld.idx.msk [tilespmem:v26+s13+$0x0], $0xffff;
	v26 =	vor.u32 s1, v8  }
0xa8: {  	s18 =	simm.s32 $0x11;
	v35 =	vld.idx.msk [tilespmem:v35+s13+$0x0], $0xffff;
	[tilespmem:s30+$0xFFFFFE60] =	vst v30;
	v30 =	vor.u32 s12, v8;
	v31 =	vmul.f32 $8.000000000e+00, v31  }
0xa9: {  	v18 =	vmul.f32 $8.000000000e+00, v18;
	v19 =	vmul.f32 $8.000000000e+00, v27;
	v27 =	vor.u32 s18, v15;
	[tilespmem:s30+$0x160] =	vst v20;
	v23 =	vld.idx.msk [tilespmem:v57+s13+$0x0], $0xffff  }
0xaa: {  	[tilespmem:s0+$0x180] =	vst v31;
	v20 =	vld.idx.msk [tilespmem:v29+s13+$0x0], $0xffff;
	v29 =	vor.u32 s15, v8  }
0xab: {  	[tilespmem:s0+$0xFFFFFF00] =	vst v18;
	v18 =	vmul.f32 $8.000000000e+00, v24;
	v31 =	vor.u32 s16, v8;
	v61 =	vld.idx.msk [tilespmem:v37+s13+$0x0], $0xffff  }
0xac: {  	v24 =	vor.u32 s17, v8;
	v26 =	vld.idx.msk [tilespmem:v26+s13+$0x0], $0xffff  }
0xad: {  	[tilespmem:s0+$0x0] =	vst v18;
	v21 =	vor.u32 s4, v14;
	v18 =	vmul.f32 $8.000000000e+00, v28;
	v30 =	vld.idx.msk [tilespmem:v30+s13+$0x0], $0xffff  }
0xae: {  	[tilespmem:s0+$0x80] =	vst v19;
	v19 =	vor.u32 s22, v9;
	v17 =	vld.idx.msk [tilespmem:v27+s13+$0x0], $0xffff;
	v25 =	vmul.f32 $8.000000000e+00, v25  }
0xaf: {  	[tilespmem:s0+$0x100] =	vst v18;
	v22 =	vmul.f32 $8.000000000e+00, v22;
	v28 =	vld.idx.msk [tilespmem:v29+s13+$0x0], $0xffff;
	v29 =	vor.u32 s1, v9  }
0xb0: {  	v18 =	vor.u32 s12, v9;
	[tilespmem:s30+$0xFFFFFEF0] =	vst v25;
	v31 =	vld.idx.msk [tilespmem:v31+s13+$0x0], $0xffff;
	v32 =	vmul.f32 $8.000000000e+00, v61  }
0xb1: {  	v40 =	vor.u32 s14, v9;
	v24 =	vld.idx.msk [tilespmem:v24+s13+$0x0], $0xffff;
	[tilespmem:s30+$0x70] =	vst v22;
	v26 =	vmul.f32 $8.000000000e+00, v26  }
0xb2: {  	v27 =	vor.u32 s15, v9;
	v21 =	vld.idx.msk [tilespmem:v21+s13+$0x0], $0xffff;
	v25 =	vmul.f32 $8.000000000e+00, v30;
	[tilespmem:s0+$0x190] =	vst v32  }
0xb3: {  	v30 =	vor.u32 s16, v9;
	v19 =	vld.idx.msk [tilespmem:v19+s13+$0x0], $0xffff;
	[tilespmem:s0+$0xFFFFFE90] =	vst v26;
	v26 =	vmul.f32 $8.000000000e+00, v63  }
0xb4: {  	[tilespmem:s0+$0xFFFFFF10] =	vst v25;
	v29 =	vld.idx.msk [tilespmem:v29+s13+$0x0], $0xffff;
	v25 =	vmul.f32 $8.000000000e+00, v28;
	v28 =	vor.u32 s17, v9  }
0xb5: {  	v41 =	vor.u32 s29, v9;
	s4 =	simm.s32 $0x12;
	v42 =	vld.idx.msk [tilespmem:v18+s13+$0x0], $0xffff;
	v18 =	vmul.f32 $8.000000000e+00, v31;
	[tilespmem:s0+$0xFFFFFF90] =	vst v26  }
0xb6: {  	v24 =	vmul.f32 $8.000000000e+00, v24;
	v26 =	vor.u32 s4, v15;
	v31 =	vld.idx.msk [tilespmem:v40+s13+$0x0], $0xffff;
	[tilespmem:s0+$0x10] =	vst v25  }
0xb7: {  	v43 =	vor.u32 s22, v10;
	v25 =	vmul.f32 $8.000000000e+00, v34;
	[tilespmem:s0+$0x90] =	vst v18;
	v27 =	vld.idx.msk [tilespmem:v27+s13+$0x0], $0xffff  }
0xb8: {  	v44 =	vor.u32 s1, v10;
	[tilespmem:s0+$0x110] =	vst v24;
	v18 =	vmul.f32 $8.000000000e+00, v33;
	v30 =	vld.idx.msk [tilespmem:v30+s13+$0x0], $0xffff  }
0xb9: {  	v24 =	vor.u32 s12, v10;
	v19 =	vmul.f32 $8.000000000e+00, v19;
	[tilespmem:s0+$0xFFFFFE10] =	vst v25;
	v25 =	vld.idx.msk [tilespmem:v28+s13+$0x0], $0xffff  }
0xba: {  	v45 =	vor.u32 s14, v10;
	[tilespmem:s30+$0xFFFFFF70] =	vst v18;
	v28 =	vld.idx.msk [tilespmem:v41+s13+$0x0], $0xffff;
	v29 =	vmul.f32 $8.000000000e+00, v29  }
0xbb: {  	v46 =	vor.u32 s15, v10;
	[tilespmem:s0+$0x1A0] =	vst v19;
	v18 =	vld.idx.msk [tilespmem:v26+s13+$0x0], $0xffff;
	v26 =	vmul.f32 $8.000000000e+00, v42  }
0xbc: {  	[tilespmem:s0+$0xFFFFFEA0] =	vst v29;
	v19 =	vmul.f32 $8.000000000e+00, v31;
	v29 =	vor.u32 s16, v10;
	v31 =	vld.idx.msk [tilespmem:v43+s13+$0x0], $0xffff  }
0xbd: {  	v33 =	vld.idx.msk [tilespmem:v44+s13+$0x0], $0xffff;
	[tilespmem:s0+$0xFFFFFF20] =	vst v26;
	v26 =	vmul.f32 $8.000000000e+00, v27;
	v27 =	vor.u32 s17, v10  }
0xbe: {  	v47 =	vor.u32 s29, v10;
	s7 =	simm.s32 $0x13;
	v24 =	vld.idx.msk [tilespmem:v24+s13+$0x0], $0xffff;
	[tilespmem:s0+$0xFFFFFFA0] =	vst v19;
	v19 =	vmul.f32 $8.000000000e+00, v30  }
0xbf: {  	v30 =	vor.u32 s7, v15;
	v32 =	vld.idx.msk [tilespmem:v45+s13+$0x0], $0xffff;
	[tilespmem:s0+$0x20] =	vst v26;
	v25 =	vmul.f32 $8.000000000e+00, v25  }
0xc0: {  	v48 =	vor.u32 s22, v11;
	v26 =	vmul.f32 $8.000000000e+00, v28;
	v28 =	vld.idx.msk [tilespmem:v46+s13+$0x0], $0xffff;
	[tilespmem:s0+$0xA0] =	vst v19  }
0xc1: {  	v49 =	vor.u32 s1, v11;
	v19 =	vmul.f32 $8.000000000e+00, v35;
	v29 =	vld.idx.msk [tilespmem:v29+s13+$0x0], $0xffff;
	[tilespmem:s0+$0x120] =	vst v25  }
0xc2: {  	[tilespmem:s0+$0xFFFFFE20] =	vst v26;
	v25 =	vor.u32 s12, v11;
	v26 =	vld.idx.msk [tilespmem:v27+s13+$0x0], $0xffff;
	v27 =	vmul.f32 $8.000000000e+00, v31  }
0xc3: {  	v50 =	vor.u32 s14, v11;
	v31 =	vld.idx.msk [tilespmem:v47+s13+$0x0], $0xffff;
	v33 =	vmul.f32 $8.000000000e+00, v33;
	[tilespmem:s30+$0xFFFFFFF0] =	vst v19  }
0xc4: {  	v19 =	vld.idx.msk [tilespmem:v30+s13+$0x0], $0xffff;
	v24 =	vmul.f32 $8.000000000e+00, v24;
	v30 =	vor.u32 s15, v11;
	[tilespmem:s0+$0x1B0] =	vst v27  }
0xc5: {  	v51 =	vor.u32 s16, v11;
	[tilespmem:s0+$0xFFFFFEB0] =	vst v33;
	v27 =	vmul.f32 $8.000000000e+00, v32;
	v52 =	vld.idx.msk [tilespmem:v48+s13+$0x0], $0xffff  }
0xc6: {  	s20 =	simm.s32 $0x15;
	v35 =	vld.idx.msk [tilespmem:v49+s13+$0x0], $0xffff;
	[tilespmem:s0+$0xFFFFFF30] =	vst v24;
	v24 =	vmul.f32 $8.000000000e+00, v28;
	v28 =	vor.u32 s17, v11  }
0xc7: {  	v58 =	vor.u32 s20, v15;
	v25 =	vld.idx.msk [tilespmem:v25+s13+$0x0], $0xffff;
	[tilespmem:s0+$0xFFFFFFB0] =	vst v27;
	v27 =	vmul.f32 $8.000000000e+00, v29  }
0xc8: {  	s10 =	simm.s32 $0x14;
	v53 =	vor.u32 s29, v11;
	v34 =	vld.idx.msk [tilespmem:v50+s13+$0x0], $0xffff;
	[tilespmem:s0+$0x30] =	vst v24;
	v24 =	vmul.f32 $8.000000000e+00, v26  }
0xc9: {  	v29 =	vor.u32 s10, v15;
	v26 =	vmul.f32 $8.000000000e+00, v31;
	v30 =	vld.idx.msk [tilespmem:v30+s13+$0x0], $0xffff;
	[tilespmem:s0+$0xB0] =	vst v27  }
0xca: {  	v23 =	vmul.f32 $8.000000000e+00, v23;
	v27 =	vor.u32 s22, v12;
	v32 =	vld.idx.msk [tilespmem:v51+s13+$0x0], $0xffff;
	[tilespmem:s0+$0x130] =	vst v24  }
0xcb: {  	v31 =	vor.u32 s1, v12;
	[tilespmem:s0+$0xFFFFFE30] =	vst v26;
	v26 =	vld.idx.msk [tilespmem:v28+s13+$0x0], $0xffff;
	v28 =	vmul.f32 $8.000000000e+00, v52  }
0xcc: {  	[tilespmem:s30+$0xF0] =	vst v23;
	v23 =	vld.idx.msk [tilespmem:v58+s13+$0x0], $0xffff;
	v24 =	vor.u32 s12, v12;
	v35 =	vmul.f32 $8.000000000e+00, v35  }
0xcd: {  	v55 =	vor.u32 s14, v12;
	v54 =	vld.idx.msk [tilespmem:v53+s13+$0x0], $0xffff;
	v25 =	vmul.f32 $8.000000000e+00, v25;
	[tilespmem:s0+$0x1C0] =	vst v28  }
0xce: {  	v22 =	vld.idx.msk [tilespmem:v29+s13+$0x0], $0xffff;
	v29 =	vor.u32 s15, v12;
	[tilespmem:s0+$0xFFFFFEC0] =	vst v35;
	v28 =	vmul.f32 $8.000000000e+00, v34  }
0xcf: {  	v56 =	vor.u32 s16, v12;
	v27 =	vld.idx.msk [tilespmem:v27+s13+$0x0], $0xffff;
	[tilespmem:s0+$0xFFFFFF40] =	vst v25;
	v25 =	vmul.f32 $8.000000000e+00, v30  }
0xd0: {  	v31 =	vld.idx.msk [tilespmem:v31+s13+$0x0], $0xffff;
	v30 =	vor.u32 s17, v12;
	[tilespmem:s0+$0xFFFFFFC0] =	vst v28;
	v28 =	vmul.f32 $8.000000000e+00, v32  }
0xd1: {  	v59 =	vmul.f32 $8.000000000e+00, v36;
	v57 =	vor.u32 s29, v12;
	v24 =	vld.idx.msk [tilespmem:v24+s13+$0x0], $0xffff;
	[tilespmem:s0+$0x40] =	vst v25  }
0xd2: {  	v36 =	vld.idx.msk [tilespmem:v55+s13+$0x0], $0xffff;
	v25 =	vmul.f32 $8.000000000e+00, v26;
	[tilespmem:s0+$0xC0] =	vst v28;
	v28 =	vor.u32 s22, v13  }
0xd3: {  	[tilespmem:s30+$0x1F0] =	vst v59;
	v59 =	vor.u32 s1, v13;
	v26 =	vmul.f32 $8.000000000e+00, v54;
	v29 =	vld.idx.msk [tilespmem:v29+s13+$0x0], $0xffff  }
0xd4: {  	v60 =	vor.u32 s12, v13;
	v34 =	vld.idx.msk [tilespmem:v56+s13+$0x0], $0xffff;
	[tilespmem:s0+$0x140] =	vst v25;
	v25 =	vmul.f32 $8.000000000e+00, v27  }
0xd5: {  	v39 =	vor.u32 s14, v13;
	[tilespmem:s0+$0xFFFFFE40] =	vst v26;
	v61 =	vld.idx.msk [tilespmem:v30+s13+$0x0], $0xffff;
	v26 =	vmul.f32 $8.000000000e+00, v31  }
0xd6: {  	v40 =	vor.u32 s15, v13;
	v35 =	vld.idx.msk [tilespmem:v57+s13+$0x0], $0xffff;
	v24 =	vmul.f32 $8.000000000e+00, v24;
	[tilespmem:s0+$0x1D0] =	vst v25  }
0xd7: {  	v31 =	vor.u32 s16, v13;
	[tilespmem:s0+$0xFFFFFED0] =	vst v26;
	v62 =	vmul.f32 $8.000000000e+00, v36;
	v26 =	vld.idx.msk [tilespmem:v28+s13+$0x0], $0xffff  }
0xd8: {  	v30 =	vor.u32 s17, v13;
	v25 =	vld.idx.msk [tilespmem:v59+s13+$0x0], $0xffff;
	[tilespmem:s0+$0xFFFFFF50] =	vst v24;
	v29 =	vmul.f32 $8.000000000e+00, v29  }
0xd9: {  	s11 =	simm.s32 $0x16;
	v32 =	vor.u32 s29, v13;
	v27 =	vld.idx.msk [tilespmem:v60+s13+$0x0], $0xffff;
	[tilespmem:s0+$0xFFFFFFD0] =	vst v62;
	v63 =	vmul.f32 $8.000000000e+00, v34  }
0xda: {  	s21 =	sshll.u32 s28, $0xD;
	v21 =	vmul.f32 $8.000000000e+00, v21;
	v24 =	vor.u32 s11, v15;
	v28 =	vld.idx.msk [tilespmem:v39+s13+$0x0], $0xffff;
	[tilespmem:s0+$0x50] =	vst v29;
	v34 =	vmul.f32 $8.000000000e+00, v61  }
0xdb: {  	s6 =	simm.s32 $0x17;
	s19 =	sadd.s32 $0x16600, s21;
	s21 =	simm.s32 $0x18;
	v20 =	vmul.f32 $8.000000000e+00, v20;
	v33 =	vor.u32 s22, v14;
	v35 =	vmul.f32 $8.000000000e+00, v35;
	v29 =	vld.idx.msk [tilespmem:v40+s13+$0x0], $0xffff;
	[tilespmem:s0+$0xD0] =	vst v63  }
.LBB2_3:
0xdc: {  	p1 =	slt.u32 s21, $0x38;
	v36 =	vor.u32 s6, v15;
	v31 =	vld.idx.msk [tilespmem:v31+s13+$0x0], $0xffff;
	[tilespmem:s0+$0x150] =	vst v34  }
0xdd: {  	v34 =	vor.u32 s1, v14;
	v26 =	vmul.f32 $8.000000000e+00, v26;
	s1 =	smov.u32 s18;
	[tilespmem:s0+$0xFFFFFE50] =	vst v35;
	v30 =	vld.idx.msk [tilespmem:v30+s13+$0x0], $0xffff  }
0xde: {  	v25 =	vmul.f32 $8.000000000e+00, v25;
	v35 =	vor.u32 s12, v14;
	s12 =	smov.u32 s4;
	v32 =	vld.idx.msk [tilespmem:v32+s13+$0x0], $0xffff;
	[tilespmem:s30+$0x170] =	vst v21  }
0xdf: {  	v21 =	vld.idx.msk [tilespmem:v24+s13+$0x0], $0xffff;
	v24 =	vmul.f32 $8.000000000e+00, v27;
	v27 =	vor.u32 s14, v14;
	[tilespmem:s0+$0x1E0] =	vst v26;
	s14 =	smov.u32 s7  }
0xe0: {  	v26 =	vor.u32 s15, v14;
	s15 =	smov.u32 s10;
	[tilespmem:s0+$0xFFFFFEE0] =	vst v25;
	v25 =	vmul.f32 $8.000000000e+00, v28;
	v28 =	vld.idx.msk [tilespmem:v33+s13+$0x0], $0xffff  }
0xe1: {  	v33 =	vld.idx.msk [tilespmem:v36+s13+$0x0], $0xffff;
	[tilespmem:s0+$0xFFFFFF60] =	vst v24;
	v24 =	vmul.f32 $8.000000000e+00, v29;
	v29 =	vor.u32 s16, v14;
	s16 =	smov.u32 s20  }
0xe2: {  	v34 =	vld.idx.msk [tilespmem:v34+s13+$0x0], $0xffff;
	[tilespmem:s0+$0xFFFFFFE0] =	vst v25;
	v25 =	vmul.f32 $8.000000000e+00, v31;
	v31 =	vor.u32 s17, v14;
	s17 =	smov.u32 s11  }
0xe3: {  	v36 =	vor.u32 s29, v14;
	s29 =	smov.u32 s31;
	s31 =	smov.u32 s21;
	v35 =	vld.idx.msk [tilespmem:v35+s13+$0x0], $0xffff;
	[tilespmem:s0+$0x60] =	vst v24;
	v24 =	vmul.f32 $8.000000000e+00, v30  }
0xe4: {  	v30 =	vor.u32 s21, v15;
	v32 =	vmul.f32 $8.000000000e+00, v32;
	v27 =	vld.idx.msk [tilespmem:v27+s13+$0x0], $0xffff;
	[tilespmem:s0+$0xE0] =	vst v25  }
0xe5: {  	v25 =	vor.u32 s6, v8;
	v26 =	vld.idx.msk [tilespmem:v26+s13+$0x0], $0xffff;
	[tilespmem:s0+$0x160] =	vst v24  }
0xe6: {  	v24 =	vor.u32 s1, v8;
	v28 =	vmul.f32 $8.000000000e+00, v28;
	[tilespmem:s0+$0xFFFFFE60] =	vst v32;
	v29 =	vld.idx.msk [tilespmem:v29+s13+$0x0], $0xffff  }
0xe7: {  	v32 =	vor.u32 s12, v8;
	v33 =	vmul.f32 $8.000000000e+00, v33;
	v31 =	vld.idx.msk [tilespmem:v31+s13+$0x0], $0xffff;
	[tilespmem:s30+$0xFFFFFE70] =	vst v20;
	s30 =	smov.u32 s0  }
0xe8: {  	v17 =	vmul.f32 $8.000000000e+00, v17;
	v20 =	vor.u32 s14, v8;
	v34 =	vmul.f32 $8.000000000e+00, v34;
	s0 =	sadd.s32 $0x400, s0;
	v36 =	vld.idx.msk [tilespmem:v36+s13+$0x0], $0xffff;
	[tilespmem:s30+$0x1F0] =	vst v28  }
0xe9: {  	v18 =	vmul.f32 $8.000000000e+00, v18;
	v28 =	vld.idx.msk [tilespmem:v30+s13+$0x0], $0xffff;
	v30 =	vor.u32 s15, v8;
	[tilespmem:s0+$0x180] =	vst v33;
	v33 =	vmul.f32 $8.000000000e+00, v35  }
0xea: {  	v35 =	vor.u32 s16, v8;
	[tilespmem:s0+$0xFFFFFE80] =	vst v17;
	v17 =	vmul.f32 $8.000000000e+00, v19;
	v25 =	vld.idx.msk [tilespmem:v25+s13+$0x0], $0xffff;
	v19 =	vmul.f32 $8.000000000e+00, v27  }
0xeb: {  	v27 =	vor.u32 s17, v8;
	v24 =	vld.idx.msk [tilespmem:v24+s13+$0x0], $0xffff;
	[tilespmem:s0+$0xFFFFFF00] =	vst v18;
	v18 =	vmul.f32 $8.000000000e+00, v22;
	v22 =	vmul.f32 $8.000000000e+00, v26  }
0xec: {  	s18 =	sadd.s32 $0x1, s21;
	v26 =	vor.u32 s29, v8;
	v32 =	vld.idx.msk [tilespmem:v32+s13+$0x0], $0xffff;
	[tilespmem:s0+$0xFFFFFF80] =	vst v17;
	v17 =	vmul.f32 $8.000000000e+00, v23;
	v23 =	vmul.f32 $8.000000000e+00, v29  }
0xed: {  	v29 =	vor.u32 s18, v15;
	v37 =	vld.idx.msk [tilespmem:v20+s13+$0x0], $0xffff;
	[tilespmem:s0+$0x0] =	vst v18;
	v18 =	vmul.f32 $8.000000000e+00, v21;
	v21 =	vmul.f32 $8.000000000e+00, v31  }
0xee: {  	v38 =	vor.u32 s6, v9;
	v31 =	vmul.f32 $8.000000000e+00, v16;
	v20 =	vmul.f32 $8.000000000e+00, v36;
	v30 =	vld.idx.msk [tilespmem:v30+s13+$0x0], $0xffff;
	[tilespmem:s0+$0x80] =	vst v17  }
0xef: {  	v36 =	vor.u32 s1, v9;
	v16 =	vmov v28;
	v35 =	vld.idx.msk [tilespmem:v35+s13+$0x0], $0xffff;
	[tilespmem:s0+$0x100] =	vst v18  }
0xf0: {  	v18 =	vor.u32 s12, v9;
	v25 =	vmul.f32 $8.000000000e+00, v25;
	[tilespmem:s0+$0xFFFFFE00] =	vst v31;
	v27 =	vld.idx.msk [tilespmem:v27+s13+$0x0], $0xffff  }
0xf1: {  	v28 =	vor.u32 s14, v9;
	v24 =	vmul.f32 $8.000000000e+00, v24;
	v26 =	vld.idx.msk [tilespmem:v26+s13+$0x0], $0xffff;
	[tilespmem:s30+$0xFFFFFEF0] =	vst v34  }
0xf2: {  	v31 =	vor.u32 s15, v9;
	v17 =	vld.idx.msk [tilespmem:v29+s13+$0x0], $0xffff;
	v29 =	vmul.f32 $8.000000000e+00, v32;
	[tilespmem:s0+$0x190] =	vst v25  }
0xf3: {  	v25 =	vor.u32 s16, v9;
	[tilespmem:s0+$0xFFFFFE90] =	vst v24;
	v24 =	vmul.f32 $8.000000000e+00, v37;
	v32 =	vld.idx.msk [tilespmem:v38+s13+$0x0], $0xffff  }
0xf4: {  	v34 =	vld.idx.msk [tilespmem:v36+s13+$0x0], $0xffff;
	[tilespmem:s0+$0xFFFFFF10] =	vst v29;
	v29 =	vmul.f32 $8.000000000e+00, v30;
	v30 =	vor.u32 s17, v9  }
0xf5: {  	s4 =	sadd.s32 $0x2, s21;
	v36 =	vor.u32 s29, v9;
	v37 =	vld.idx.msk [tilespmem:v18+s13+$0x0], $0xffff;
	[tilespmem:s0+$0xFFFFFF90] =	vst v24;
	v18 =	vmul.f32 $8.000000000e+00, v35  }
0xf6: {  	v24 =	vor.u32 s4, v15;
	v27 =	vmul.f32 $8.000000000e+00, v27;
	v28 =	vld.idx.msk [tilespmem:v28+s13+$0x0], $0xffff;
	[tilespmem:s0+$0x10] =	vst v29  }
0xf7: {  	v26 =	vmul.f32 $8.000000000e+00, v26;
	v29 =	vld.idx.msk [tilespmem:v31+s13+$0x0], $0xffff;
	[tilespmem:s0+$0x90] =	vst v18;
	v31 =	vor.u32 s6, v10  }
0xf8: {  	v35 =	vor.u32 s1, v10;
	v25 =	vld.idx.msk [tilespmem:v25+s13+$0x0], $0xffff;
	[tilespmem:s0+$0x110] =	vst v27  }
0xf9: {  	[tilespmem:s0+$0xFFFFFE10] =	vst v26;
	v26 =	vor.u32 s12, v10;
	v27 =	vld.idx.msk [tilespmem:v30+s13+$0x0], $0xffff;
	v30 =	vmul.f32 $8.000000000e+00, v32  }
0xfa: {  	v34 =	vmul.f32 $8.000000000e+00, v34;
	v32 =	vld.idx.msk [tilespmem:v36+s13+$0x0], $0xffff;
	v36 =	vor.u32 s14, v10;
	[tilespmem:s30+$0xFFFFFF70] =	vst v33  }
0xfb: {  	v33 =	vor.u32 s15, v10;
	v18 =	vld.idx.msk [tilespmem:v24+s13+$0x0], $0xffff;
	v24 =	vmul.f32 $8.000000000e+00, v37;
	[tilespmem:s0+$0x1A0] =	vst v30  }
0xfc: {  	v28 =	vmul.f32 $8.000000000e+00, v28;
	v30 =	vor.u32 s16, v10;
	[tilespmem:s0+$0xFFFFFEA0] =	vst v34;
	v31 =	vld.idx.msk [tilespmem:v31+s13+$0x0], $0xffff  }
0xfd: {  	v34 =	vld.idx.msk [tilespmem:v35+s13+$0x0], $0xffff;
	[tilespmem:s0+$0xFFFFFF20] =	vst v24;
	v24 =	vmul.f32 $8.000000000e+00, v29;
	v29 =	vor.u32 s17, v10  }
0xfe: {  	s7 =	sadd.s32 $0x3, s21;
	v35 =	vor.u32 s29, v10;
	v25 =	vmul.f32 $8.000000000e+00, v25;
	v26 =	vld.idx.msk [tilespmem:v26+s13+$0x0], $0xffff;
	[tilespmem:s0+$0xFFFFFFA0] =	vst v28  }
0xff: {  	v28 =	vor.u32 s7, v15;
	v36 =	vld.idx.msk [tilespmem:v36+s13+$0x0], $0xffff;
	[tilespmem:s0+$0x20] =	vst v24;
	v24 =	vmul.f32 $8.000000000e+00, v27  }
0x100: {  	v27 =	vmul.f32 $8.000000000e+00, v32;
	v32 =	vld.idx.msk [tilespmem:v33+s13+$0x0], $0xffff;
	[tilespmem:s0+$0xA0] =	vst v25;
	v25 =	vor.u32 s6, v11  }
0x101: {  	v33 =	vor.u32 s1, v11;
	v30 =	vld.idx.msk [tilespmem:v30+s13+$0x0], $0xffff;
	[tilespmem:s0+$0x120] =	vst v24  }
0x102: {  	v24 =	vor.u32 s12, v11;
	[tilespmem:s0+$0xFFFFFE20] =	vst v27;
	v27 =	vld.idx.msk [tilespmem:v29+s13+$0x0], $0xffff;
	v29 =	vmul.f32 $8.000000000e+00, v31  }
0x103: {  	v34 =	vmul.f32 $8.000000000e+00, v34;
	v31 =	vld.idx.msk [tilespmem:v35+s13+$0x0], $0xffff;
	v35 =	vor.u32 s14, v11;
	[tilespmem:s30+$0xFFFFFFF0] =	vst v19  }
0x104: {  	v26 =	vmul.f32 $8.000000000e+00, v26;
	v19 =	vld.idx.msk [tilespmem:v28+s13+$0x0], $0xffff;
	v28 =	vor.u32 s15, v11;
	[tilespmem:s0+$0x1B0] =	vst v29  }
0x105: {  	v29 =	vmul.f32 $8.000000000e+00, v36;
	[tilespmem:s0+$0xFFFFFEB0] =	vst v34;
	v34 =	vor.u32 s16, v11;
	v25 =	vld.idx.msk [tilespmem:v25+s13+$0x0], $0xffff  }
0x106: {  	v33 =	vld.idx.msk [tilespmem:v33+s13+$0x0], $0xffff;
	[tilespmem:s0+$0xFFFFFF30] =	vst v26;
	v26 =	vmul.f32 $8.000000000e+00, v32;
	v32 =	vor.u32 s17, v11  }
0x107: {  	s10 =	sadd.s32 $0x4, s21;
	v36 =	vor.u32 s29, v11;
	v24 =	vld.idx.msk [tilespmem:v24+s13+$0x0], $0xffff;
	[tilespmem:s0+$0xFFFFFFB0] =	vst v29;
	v29 =	vmul.f32 $8.000000000e+00, v30  }
0x108: {  	v30 =	vor.u32 s10, v15;
	v35 =	vld.idx.msk [tilespmem:v35+s13+$0x0], $0xffff;
	[tilespmem:s0+$0x30] =	vst v26;
	v26 =	vmul.f32 $8.000000000e+00, v27  }
0x109: {  	v27 =	vmul.f32 $8.000000000e+00, v31;
	v28 =	vld.idx.msk [tilespmem:v28+s13+$0x0], $0xffff;
	[tilespmem:s0+$0xB0] =	vst v29;
	v29 =	vor.u32 s6, v12  }
0x10a: {  	v31 =	vor.u32 s1, v12;
	v34 =	vld.idx.msk [tilespmem:v34+s13+$0x0], $0xffff;
	[tilespmem:s0+$0x130] =	vst v26  }
0x10b: {  	v26 =	vor.u32 s12, v12;
	v25 =	vmul.f32 $8.000000000e+00, v25;
	[tilespmem:s0+$0xFFFFFE30] =	vst v27;
	v27 =	vld.idx.msk [tilespmem:v32+s13+$0x0], $0xffff  }
0x10c: {  	v33 =	vmul.f32 $8.000000000e+00, v33;
	v32 =	vld.idx.msk [tilespmem:v36+s13+$0x0], $0xffff;
	v36 =	vor.u32 s14, v12;
	[tilespmem:s30+$0x70] =	vst v22  }
0x10d: {  	v24 =	vmul.f32 $8.000000000e+00, v24;
	v22 =	vld.idx.msk [tilespmem:v30+s13+$0x0], $0xffff;
	v30 =	vor.u32 s15, v12;
	[tilespmem:s0+$0x1C0] =	vst v25  }
0x10e: {  	v25 =	vmul.f32 $8.000000000e+00, v35;
	[tilespmem:s0+$0xFFFFFEC0] =	vst v33;
	v33 =	vor.u32 s16, v12;
	v29 =	vld.idx.msk [tilespmem:v29+s13+$0x0], $0xffff  }
0x10f: {  	v31 =	vld.idx.msk [tilespmem:v31+s13+$0x0], $0xffff;
	[tilespmem:s0+$0xFFFFFF40] =	vst v24;
	v24 =	vmul.f32 $8.000000000e+00, v28;
	v28 =	vor.u32 s17, v12  }
0x110: {  	s20 =	sadd.s32 $0x5, s21;
	v35 =	vor.u32 s29, v12;
	v26 =	vld.idx.msk [tilespmem:v26+s13+$0x0], $0xffff;
	[tilespmem:s0+$0xFFFFFFC0] =	vst v25;
	v25 =	vmul.f32 $8.000000000e+00, v34  }
0x111: {  	v34 =	vor.u32 s20, v15;
	v36 =	vld.idx.msk [tilespmem:v36+s13+$0x0], $0xffff;
	[tilespmem:s0+$0x40] =	vst v24;
	v24 =	vmul.f32 $8.000000000e+00, v27  }
0x112: {  	v27 =	vmul.f32 $8.000000000e+00, v32;
	v30 =	vld.idx.msk [tilespmem:v30+s13+$0x0], $0xffff;
	[tilespmem:s0+$0xC0] =	vst v25;
	v25 =	vor.u32 s6, v13  }
0x113: {  	v32 =	vor.u32 s1, v13;
	v33 =	vld.idx.msk [tilespmem:v33+s13+$0x0], $0xffff;
	[tilespmem:s0+$0x140] =	vst v24  }
0x114: {  	v24 =	vor.u32 s12, v13;
	[tilespmem:s0+$0xFFFFFE40] =	vst v27;
	v37 =	vld.idx.msk [tilespmem:v28+s13+$0x0], $0xffff;
	v27 =	vmul.f32 $8.000000000e+00, v29  }
0x115: {  	v28 =	vmul.f32 $8.000000000e+00, v31;
	v29 =	vld.idx.msk [tilespmem:v35+s13+$0x0], $0xffff;
	v35 =	vor.u32 s14, v13;
	[tilespmem:s30+$0xF0] =	vst v23  }
0x116: {  	v38 =	vor.u32 s15, v13;
	v23 =	vld.idx.msk [tilespmem:v34+s13+$0x0], $0xffff;
	v34 =	vmul.f32 $8.000000000e+00, v26;
	[tilespmem:s0+$0x1D0] =	vst v27  }
.Ltmp0:
0x117: {  	v31 =	vor.u32 s16, v13;
	[tilespmem:s0+$0xFFFFFED0] =	vst v28;
	v28 =	vmul.f32 $8.000000000e+00, v36;
	v26 =	vld.idx.msk [tilespmem:v25+s13+$0x0], $0xffff;
	(pc) =	sbr.rel @p1 .LBB2_3-.Ltmp0, $4  }
0x118: {  	v25 =	vld.idx.msk [tilespmem:v32+s13+$0x0], $0xffff;
	[tilespmem:s0+$0xFFFFFF50] =	vst v34;
	v34 =	vmul.f32 $8.000000000e+00, v30;
	v30 =	vor.u32 s17, v13  }
0x119: {  	s11 =	sadd.s32 $0x6, s21;
	v32 =	vor.u32 s29, v13;
	v33 =	vmul.f32 $8.000000000e+00, v33;
	v27 =	vld.idx.msk [tilespmem:v24+s13+$0x0], $0xffff;
	[tilespmem:s0+$0xFFFFFFD0] =	vst v28  }
0x11a: {  	v24 =	vor.u32 s11, v15;
	v28 =	vld.idx.msk [tilespmem:v35+s13+$0x0], $0xffff;
	[tilespmem:s0+$0x50] =	vst v34;
	v34 =	vmul.f32 $8.000000000e+00, v37  }
0x11b: {  	s21 =	sadd.s32 $0x8, s21;
	v35 =	vmul.f32 $8.000000000e+00, v29;
	v29 =	vld.idx.msk [tilespmem:v38+s13+$0x0], $0xffff;
	[tilespmem:s0+$0xD0] =	vst v33;
	v33 =	vor.u32 s6, v14;
	s6 =	sadd.s32 $0x7, s31  }
0x11c: {  	[tilespmem:s0+$0x150] =	vst v34  }
0x11d: {  	[tilespmem:s30+$0x170] =	vst v21  }
0x11e: {  	v26 =	vmul.f32 $8.000000000e+00, v26;
	[tilespmem:s30+$0xFFFFFE70] =	vst v20  }
0x11f: {  	v17 =	vmul.f32 $8.000000000e+00, v17;
	[tilespmem:s0+$0xFFFFFE50] =	vst v35  }
0x120: {  	s21 =	sadd.s32 $0x400, s0;
	v18 =	vmul.f32 $8.000000000e+00, v18;
	[tilespmem:s0+$0x1E0] =	vst v26  }
0x121: {  	v42 =	vmul.f32 $8.000000000e+00, v19;
	[tilespmem:s21+$0xFFFFFE80] =	vst v17  }
0x122: {  	v44 =	vmul.f32 $8.000000000e+00, v22;
	[tilespmem:s21+$0xFFFFFF00] =	vst v18  }
0x123: {  	v47 =	vmul.f32 $8.000000000e+00, v23;
	[tilespmem:s21+$0xFFFFFF80] =	vst v42  }
0x124: {  	v15 =	vor.u32 s6, v15;
	v31 =	vld.idx.msk [tilespmem:v31+s13+$0x0], $0xffff;
	v16 =	vmul.f32 $8.000000000e+00, v16;
	[tilespmem:s21+$0x0] =	vst v44  }
0x125: {  	v36 =	vor.u32 s18, v8;
	v37 =	vld.idx.msk [tilespmem:v24+s13+$0x0], $0xffff;
	v25 =	vmul.f32 $8.000000000e+00, v25;
	[tilespmem:s21+$0x80] =	vst v47  }
0x126: {  	v38 =	vor.u32 s4, v8;
	v30 =	vld.idx.msk [tilespmem:v30+s13+$0x0], $0xffff;
	v27 =	vmul.f32 $8.000000000e+00, v27;
	[tilespmem:s21+$0xFFFFFE00] =	vst v16  }
0x127: {  	v34 =	vor.u32 s6, v8;
	v41 =	vor.u32 s10, v8;
	v61 =	vld.idx.msk [tilespmem:v32+s13+$0x0], $0xffff;
	[tilespmem:s0+$0xFFFFFEE0] =	vst v25;
	v62 =	vmul.f32 $8.000000000e+00, v28  }
0x128: {  	v39 =	vor.u32 s7, v8;
	v43 =	vor.u32 s20, v8;
	v26 =	vld.idx.msk [tilespmem:v33+s13+$0x0], $0xffff;
	[tilespmem:s0+$0xFFFFFF60] =	vst v27;
	v63 =	vmul.f32 $8.000000000e+00, v29  }
0x129: {  	v46 =	vor.u32 s11, v8;
	v8 =	vor.u32 s31, v8;
	v15 =	vld.idx.msk [tilespmem:v15+s13+$0x0], $0xffff;
	[tilespmem:s0+$0xFFFFFFE0] =	vst v62;
	v31 =	vmul.f32 $8.000000000e+00, v31  }
0x12a: {  	v50 =	vor.u32 s12, v14;
	v45 =	vld.idx.msk [tilespmem:v36+s13+$0x0], $0xffff;
	v49 =	vmul.f32 $8.000000000e+00, v37;
	[tilespmem:s0+$0x60] =	vst v63  }
0x12b: {  	v33 =	vor.u32 s1, v14;
	v48 =	vld.idx.msk [tilespmem:v38+s13+$0x0], $0xffff;
	v32 =	vmul.f32 $8.000000000e+00, v30;
	[tilespmem:s0+$0xE0] =	vst v31  }
0x12c: {  	v51 =	vld.idx.msk [tilespmem:v41+s13+$0x0], $0xffff;
	v21 =	vmul.f32 $8.000000000e+00, v61;
	[tilespmem:s21+$0x100] =	vst v49  }
0x12d: {  	v19 =	vld.idx.msk [tilespmem:v43+s13+$0x0], $0xffff;
	[tilespmem:s0+$0x160] =	vst v32;
	v35 =	vmul.f32 $8.000000000e+00, v26  }
0x12e: {  	v8 =	vld.idx.msk [tilespmem:v8+s13+$0x0], $0xffff;
	[tilespmem:s0+$0xFFFFFE60] =	vst v21;
	v15 =	vmul.f32 $8.000000000e+00, v15  }
0x12f: {  	v53 =	vor.u32 s18, v9;
	v57 =	vld.idx.msk [tilespmem:v50+s13+$0x0], $0xffff;
	[tilespmem:s0+$0x1F0] =	vst v35;
	v22 =	vmul.f32 $8.000000000e+00, v45  }
0x130: {  	v55 =	vor.u32 s4, v9;
	v40 =	vld.idx.msk [tilespmem:v33+s13+$0x0], $0xffff;
	v23 =	vmul.f32 $8.000000000e+00, v48;
	[tilespmem:s21+$0x180] =	vst v15  }
0x131: {  	v58 =	vor.u32 s10, v9;
	v26 =	vld.idx.msk [tilespmem:v46+s13+$0x0], $0xffff;
	v17 =	vmul.f32 $8.000000000e+00, v51;
	[tilespmem:s21+$0xFFFFFE90] =	vst v22  }
0x132: {  	v61 =	vor.u32 s31, v9;
	v19 =	vmul.f32 $8.000000000e+00, v19;
	[tilespmem:s21+$0xFFFFFF10] =	vst v23;
	v27 =	vld.idx.msk [tilespmem:v34+s13+$0x0], $0xffff  }
0x133: {  	v59 =	vor.u32 s20, v9;
	v21 =	vld.idx.msk [tilespmem:v39+s13+$0x0], $0xffff;
	v8 =	vmul.f32 $8.000000000e+00, v8;
	[tilespmem:s21+$0x10] =	vst v17  }
0x134: {  	v41 =	vor.u32 s15, v14;
	v16 =	vmul.f32 $8.000000000e+00, v57;
	[tilespmem:s21+$0x90] =	vst v19;
	v18 =	vld.idx.msk [tilespmem:v53+s13+$0x0], $0xffff  }
0x135: {  	v52 =	vor.u32 s6, v9;
	[tilespmem:s21+$0xFFFFFE10] =	vst v8;
	v15 =	vmul.f32 $8.000000000e+00, v40;
	v62 =	vld.idx.msk [tilespmem:v55+s13+$0x0], $0xffff  }
0x136: {  	v60 =	vor.u32 s11, v9;
	[tilespmem:s0+$0xFFFFFF70] =	vst v16;
	v63 =	vmul.f32 $8.000000000e+00, v26;
	v29 =	vld.idx.msk [tilespmem:v58+s13+$0x0], $0xffff  }
0x137: {  	v56 =	vor.u32 s7, v9;
	v9 =	vld.idx.msk [tilespmem:v61+s13+$0x0], $0xffff;
	[tilespmem:s0+$0xFFFFFEF0] =	vst v15;
	v54 =	vmul.f32 $8.000000000e+00, v27  }
0x138: {  	v31 =	vor.u32 s18, v10;
	v22 =	vld.idx.msk [tilespmem:v59+s13+$0x0], $0xffff;
	v21 =	vmul.f32 $8.000000000e+00, v21;
	[tilespmem:s21+$0x110] =	vst v63  }
0x139: {  	v32 =	vor.u32 s4, v10;
	v48 =	vld.idx.msk [tilespmem:v41+s13+$0x0], $0xffff;
	v18 =	vmul.f32 $8.000000000e+00, v18;
	[tilespmem:s21+$0x190] =	vst v54  }
0x13a: {  	v34 =	vor.u32 s10, v10;
	[tilespmem:s21+$0xFFFFFF90] =	vst v21;
	v21 =	vmul.f32 $8.000000000e+00, v62;
	v24 =	vld.idx.msk [tilespmem:v52+s13+$0x0], $0xffff  }
0x13b: {  	v35 =	vor.u32 s20, v10;
	v23 =	vld.idx.msk [tilespmem:v60+s13+$0x0], $0xffff;
	v19 =	vmul.f32 $8.000000000e+00, v29;
	[tilespmem:s21+$0xFFFFFEA0] =	vst v18  }
0x13c: {  	v28 =	vor.u32 s14, v14;
	v15 =	vld.idx.msk [tilespmem:v56+s13+$0x0], $0xffff;
	v9 =	vmul.f32 $8.000000000e+00, v9;
	[tilespmem:s21+$0xFFFFFF20] =	vst v21  }
0x13d: {  	v30 =	vor.u32 s6, v10;
	v37 =	vmul.f32 $8.000000000e+00, v22;
	[tilespmem:s21+$0x20] =	vst v19;
	v17 =	vld.idx.msk [tilespmem:v31+s13+$0x0], $0xffff  }
0x13e: {  	v36 =	vor.u32 s11, v10;
	[tilespmem:s21+$0xFFFFFE20] =	vst v9;
	v9 =	vmul.f32 $8.000000000e+00, v48;
	v39 =	vld.idx.msk [tilespmem:v32+s13+$0x0], $0xffff  }
0x13f: {  	v33 =	vor.u32 s7, v10;
	[tilespmem:s21+$0xA0] =	vst v37;
	v42 =	vld.idx.msk [tilespmem:v34+s13+$0x0], $0xffff;
	v8 =	vmul.f32 $8.000000000e+00, v24  }
0x140: {  	v44 =	vor.u32 s18, v11;
	v40 =	vmul.f32 $8.000000000e+00, v23;
	v18 =	vld.idx.msk [tilespmem:v35+s13+$0x0], $0xffff;
	[tilespmem:s0+$0x70] =	vst v9  }
0x141: {  	v46 =	vor.u32 s4, v11;
	v15 =	vmul.f32 $8.000000000e+00, v15;
	[tilespmem:s21+$0x1A0] =	vst v8;
	v8 =	vld.idx.msk [tilespmem:v28+s13+$0x0], $0xffff  }
0x142: {  	v49 =	vor.u32 s10, v11;
	[tilespmem:s21+$0x120] =	vst v40;
	v17 =	vmul.f32 $8.000000000e+00, v17;
	v20 =	vld.idx.msk [tilespmem:v30+s13+$0x0], $0xffff  }
0x143: {  	v38 =	vor.u32 s31, v10;
	[tilespmem:s21+$0xFFFFFFA0] =	vst v15;
	v21 =	vld.idx.msk [tilespmem:v36+s13+$0x0], $0xffff;
	v22 =	vmul.f32 $8.000000000e+00, v39  }
0x144: {  	v50 =	vor.u32 s20, v11;
	v16 =	vld.idx.msk [tilespmem:v33+s13+$0x0], $0xffff;
	v15 =	vmul.f32 $8.000000000e+00, v42;
	[tilespmem:s21+$0xFFFFFEB0] =	vst v17  }
0x145: {  	v43 =	vor.u32 s6, v11;
	v52 =	vmul.f32 $8.000000000e+00, v18;
	[tilespmem:s21+$0xFFFFFF30] =	vst v22;
	v19 =	vld.idx.msk [tilespmem:v44+s13+$0x0], $0xffff  }
0x146: {  	v51 =	vor.u32 s11, v11;
	[tilespmem:s21+$0x30] =	vst v15;
	v54 =	vld.idx.msk [tilespmem:v46+s13+$0x0], $0xffff;
	v8 =	vmul.f32 $8.000000000e+00, v8  }
0x147: {  	v47 =	vor.u32 s7, v11;
	[tilespmem:s21+$0xB0] =	vst v52;
	v57 =	vld.idx.msk [tilespmem:v49+s13+$0x0], $0xffff;
	v45 =	vmul.f32 $8.000000000e+00, v20  }
0x148: {  	v59 =	vor.u32 s18, v12;
	v55 =	vmul.f32 $8.000000000e+00, v21;
	[tilespmem:s0+$0xFFFFFFF0] =	vst v8;
	v8 =	vld.idx.msk [tilespmem:v38+s13+$0x0], $0xffff  }
0x149: {  	v60 =	vor.u32 s4, v12;
	v17 =	vld.idx.msk [tilespmem:v50+s13+$0x0], $0xffff;
	v16 =	vmul.f32 $8.000000000e+00, v16;
	[tilespmem:s21+$0x1B0] =	vst v45  }
0x14a: {  	v63 =	vor.u32 s10, v12;
	[tilespmem:s21+$0x130] =	vst v55;
	v19 =	vmul.f32 $8.000000000e+00, v19;
	v24 =	vld.idx.msk [tilespmem:v43+s13+$0x0], $0xffff  }
0x14b: {  	v53 =	vor.u32 s31, v11;
	[tilespmem:s21+$0xFFFFFFB0] =	vst v16;
	v22 =	vld.idx.msk [tilespmem:v51+s13+$0x0], $0xffff;
	v18 =	vmul.f32 $8.000000000e+00, v54  }
0x14c: {  	v56 =	vor.u32 s16, v14;
	v10 =	vld.idx.msk [tilespmem:v47+s13+$0x0], $0xffff;
	v16 =	vmul.f32 $8.000000000e+00, v57;
	[tilespmem:s21+$0xFFFFFEC0] =	vst v19  }
0x14d: {  	v58 =	vor.u32 s6, v12;
	[tilespmem:s21+$0xFFFFFF40] =	vst v18;
	v15 =	vld.idx.msk [tilespmem:v59+s13+$0x0], $0xffff;
	v8 =	vmul.f32 $8.000000000e+00, v8  }
0x14e: {  	v25 =	vor.u32 s11, v12;
	v26 =	vmul.f32 $8.000000000e+00, v17;
	[tilespmem:s21+$0x40] =	vst v16;
	v28 =	vld.idx.msk [tilespmem:v60+s13+$0x0], $0xffff  }
0x14f: {  	v62 =	vor.u32 s7, v12;
	v31 =	vld.idx.msk [tilespmem:v63+s13+$0x0], $0xffff;
	[tilespmem:s21+$0xFFFFFE30] =	vst v8;
	v8 =	vmul.f32 $8.000000000e+00, v24  }
0x150: {  	v30 =	vor.u32 s17, v14;
	[tilespmem:s21+$0xC0] =	vst v26;
	v29 =	vmul.f32 $8.000000000e+00, v22;
	v61 =	vld.idx.msk [tilespmem:v53+s13+$0x0], $0xffff  }
0x151: {  	v33 =	vor.u32 s18, v13;
	v10 =	vmul.f32 $8.000000000e+00, v10;
	[tilespmem:s21+$0x1C0] =	vst v8;
	v8 =	vld.idx.msk [tilespmem:v56+s13+$0x0], $0xffff  }
0x152: {  	[tilespmem:s21+$0x140] =	vst v29;
	v24 =	vor.u32 s20, v12;
	v15 =	vmul.f32 $8.000000000e+00, v15;
	v21 =	vld.idx.msk [tilespmem:v58+s13+$0x0], $0xffff  }
0x153: {  	v27 =	vor.u32 s31, v12;
	[tilespmem:s21+$0xFFFFFFC0] =	vst v10;
	v18 =	vld.idx.msk [tilespmem:v25+s13+$0x0], $0xffff;
	v17 =	vmul.f32 $8.000000000e+00, v28  }
0x154: {  	v35 =	vor.u32 s4, v13;
	v11 =	vld.idx.msk [tilespmem:v62+s13+$0x0], $0xffff;
	v10 =	vmul.f32 $8.000000000e+00, v31;
	[tilespmem:s21+$0xFFFFFED0] =	vst v15  }
0x155: {  	v32 =	vor.u32 s6, v13;
	v37 =	vld.idx.msk [tilespmem:v30+s13+$0x0], $0xffff;
	[tilespmem:s21+$0xFFFFFF50] =	vst v17;
	v9 =	vmul.f32 $8.000000000e+00, v61  }
0x156: {  	v40 =	vor.u32 s11, v13;
	[tilespmem:s21+$0x50] =	vst v10;
	v16 =	vld.idx.msk [tilespmem:v33+s13+$0x0], $0xffff;
	v8 =	vmul.f32 $8.000000000e+00, v8  }
0x157: {  	v36 =	vor.u32 s7, v13;
	v19 =	vld.idx.msk [tilespmem:v24+s13+$0x0], $0xffff;
	[tilespmem:s21+$0xFFFFFE40] =	vst v9;
	v34 =	vmul.f32 $8.000000000e+00, v21  }
0x158: {  	v38 =	vor.u32 s10, v13;
	v44 =	vmul.f32 $8.000000000e+00, v18;
	[tilespmem:s0+$0xF0] =	vst v8;
	v8 =	vld.idx.msk [tilespmem:v27+s13+$0x0], $0xffff  }
0x159: {  	v45 =	vor.u32 s29, v14;
	v43 =	vld.idx.msk [tilespmem:v35+s13+$0x0], $0xffff;
	v11 =	vmul.f32 $8.000000000e+00, v11;
	[tilespmem:s21+$0x1D0] =	vst v34  }
0x15a: {  	v39 =	vor.u32 s20, v13;
	[tilespmem:s21+$0x150] =	vst v44;
	v9 =	vmul.f32 $8.000000000e+00, v37;
	v20 =	vld.idx.msk [tilespmem:v32+s13+$0x0], $0xffff  }
0x15b: {  	v42 =	vor.u32 s31, v13;
	[tilespmem:s21+$0xFFFFFFD0] =	vst v11;
	v17 =	vld.idx.msk [tilespmem:v40+s13+$0x0], $0xffff;
	v16 =	vmul.f32 $8.000000000e+00, v16  }
0x15c: {  	v48 =	vor.u32 s18, v14;
	v12 =	vld.idx.msk [tilespmem:v36+s13+$0x0], $0xffff;
	v41 =	vmul.f32 $8.000000000e+00, v19;
	[tilespmem:s0+$0x170] =	vst v9  }
0x15d: {  	v49 =	vor.u32 s4, v14;
	v47 =	vld.idx.msk [tilespmem:v38+s13+$0x0], $0xffff;
	[tilespmem:s21+$0xFFFFFEE0] =	vst v16;
	v8 =	vmul.f32 $8.000000000e+00, v8  }
0x15e: {  	v53 =	vor.u32 s11, v14;
	v18 =	vld.idx.msk [tilespmem:v45+s13+$0x0], $0xffff;
	v19 =	vmul.f32 $8.000000000e+00, v43;
	[tilespmem:s21+$0xD0] =	vst v41  }
0x15f: {  	v50 =	vor.u32 s7, v14;
	v15 =	vld.idx.msk [tilespmem:v39+s13+$0x0], $0xffff;
	[tilespmem:s21+$0xFFFFFE50] =	vst v8;
	v8 =	vmul.f32 $8.000000000e+00, v20  }
0x160: {  	v46 =	vor.u32 s6, v14;
	v17 =	vmul.f32 $8.000000000e+00, v17;
	[tilespmem:s21+$0xFFFFFF60] =	vst v19;
	v13 =	vld.idx.msk [tilespmem:v42+s13+$0x0], $0xffff  }
0x161: {  	v10 =	vld.idx.msk [tilespmem:v48+s13+$0x0], $0xffff;
	v12 =	vmul.f32 $8.000000000e+00, v12;
	[tilespmem:s21+$0x1E0] =	vst v8;
	v8 =	vor.u32 s10, v14  }
0x162: {  	v51 =	vor.u32 s20, v14;
	v52 =	vmul.f32 $8.000000000e+00, v47;
	v56 =	vld.idx.msk [tilespmem:v49+s13+$0x0], $0xffff;
	[tilespmem:s21+$0x160] =	vst v17  }
0x163: {  	v55 =	vor.u32 s31, v14;
	v57 =	vmul.f32 $8.000000000e+00, v18;
	[tilespmem:s21+$0xFFFFFFE0] =	vst v12;
	v59 =	vld.idx.msk [tilespmem:v53+s13+$0x0], $0xffff  }
0x164: {  	[tilespmem:s21+$0x60] =	vst v52;
	v9 =	vld.idx.msk [tilespmem:v50+s13+$0x0], $0xffff;
	v54 =	vmul.f32 $8.000000000e+00, v15  }
0x165: {  	[tilespmem:s0+$0xFFFFFE70] =	vst v57;
	v11 =	vld.idx.msk [tilespmem:v46+s13+$0x0], $0xffff;
	v13 =	vmul.f32 $8.000000000e+00, v13  }
0x166: {  	v10 =	vmul.f32 $8.000000000e+00, v10;
	[tilespmem:s21+$0xE0] =	vst v54;
	v8 =	vld.idx.msk [tilespmem:v8+s13+$0x0], $0xffff  }
0x167: {  	v61 =	vmul.f32 $8.000000000e+00, v56;
	v58 =	vld.idx.msk [tilespmem:v51+s13+$0x0], $0xffff;
	[tilespmem:s21+$0xFFFFFE60] =	vst v13  }
0x168: {  	[tilespmem:s21+$0xFFFFFEF0] =	vst v10;
	v63 =	vmul.f32 $8.000000000e+00, v59;
	v60 =	vld.idx.msk [tilespmem:v55+s13+$0x0], $0xffff  }
0x169: {  	v9 =	vmul.f32 $8.000000000e+00, v9;
	[tilespmem:s21+$0xFFFFFF70] =	vst v61  }
0x16a: {  	[tilespmem:s21+$0x170] =	vst v63;
	v11 =	vmul.f32 $8.000000000e+00, v11  }
0x16b: {  	[tilespmem:s21+$0xFFFFFFF0] =	vst v9;
	v8 =	vmul.f32 $8.000000000e+00, v8  }
0x16c: {  	s30 =	sshll.u32 s23, $0x12;
	[tilespmem:s21+$0x1F0] =	vst v11;
	v62 =	vmul.f32 $8.000000000e+00, v58  }
0x16d: {  	s0 =	sor.u32 s5, s30;
	[tilespmem:s21+$0x70] =	vst v8;
	v8 =	vmul.f32 $8.000000000e+00, v60  }
0x16e: {  	s0 =	sshrl.u32 s0, $0x3;
	[tilespmem:s21+$0xF0] =	vst v62  }
0x16f: {  	p1 =	sgt.u32 s23, $0xC3;
	s31 =	sadd.s32 $0x5, s28;
	s0 =	sadd.s32 s3, s0;
	[tilespmem:s21+$0xFFFFFE70] =	vst v8  }
0x170: {  	[hbm4b:s0+s8] =	stream.strided.scatter [tilespmem:s19], [sflag:s31], $0x2000, s9, s8, $0x38;
	[tilespmem:$0x1A600] =	vst v63  }
0x171: {  	v8 =	vld @!p1 [tilespmem:s26+$0x200];
	_ =	sdelay $0x4  }
0x172: {  	s0 =	sshll.u32 @!p1 s25, $0x7;
	v8 =	vshrl.u32 @!p1 v8, $0x1  }
0x173: {  	[tilespmem:s0+$0x6400] =	vst @!p1 v8  }
0x174: {  	v8 =	vld @!p1 [tilespmem:s26+$0x210];
	_ =	sdelay $0x4  }
0x175: {  	v8 =	vshrl.u32 @!p1 v8, $0x1  }
0x176: {  	[tilespmem:s0+$0x6410] =	vst @!p1 v8  }
0x177: {  	v8 =	vld @!p1 [tilespmem:s26+$0x220];
	_ =	sdelay $0x4  }
0x178: {  	v8 =	vshrl.u32 @!p1 v8, $0x1  }
0x179: {  	[tilespmem:s0+$0x6420] =	vst @!p1 v8  }
0x17a: {  	v8 =	vld @!p1 [tilespmem:s26+$0x230];
	_ =	sdelay $0x4  }
0x17b: {  	v8 =	vshrl.u32 @!p1 v8, $0x1  }
0x17c: {  	[tilespmem:s0+$0x6430] =	vst @!p1 v8  }
0x17d: {  	v8 =	vld @!p1 [tilespmem:s26+$0x240];
	_ =	sdelay $0x4  }
0x17e: {  	v8 =	vshrl.u32 @!p1 v8, $0x1  }
0x17f: {  	[tilespmem:s0+$0x6440] =	vst @!p1 v8  }
0x180: {  	v8 =	vld @!p1 [tilespmem:s26+$0x250];
	_ =	sdelay $0x4  }
0x181: {  	v8 =	vshrl.u32 @!p1 v8, $0x1  }
0x182: {  	[tilespmem:s0+$0x6450] =	vst @!p1 v8  }
0x183: {  	v8 =	vld @!p1 [tilespmem:s26+$0x260];
	_ =	sdelay $0x4  }
0x184: {  	v8 =	vshrl.u32 @!p1 v8, $0x1  }
0x185: {  	[tilespmem:s0+$0x6460] =	vst @!p1 v8  }
0x186: {  	v8 =	vld @!p1 [tilespmem:s26+$0x270];
	_ =	sdelay $0x4  }
0x187: {  	s23 =	sadd.s32 $0x1, s23;
	s1 =	sshll.u32 @!p1 s25, $0xE;
	v8 =	vshrl.u32 @!p1 v8, $0x1  }
0x188: {  	s4 =	sor.u32 @!p1 $0x6400, s0;
	[tilespmem:s0+$0x6470] =	vst @!p1 v8;
	s0 =	sadd.s32 @!p1 $0x6600, s1;
	s1 =	simm.s32 @!p1 $0x80  }
0x189: {  	[tilespmem:s0], [sflag:s24] =	stream.indirect.gather @!p1 [hbm4b:s2+s1], $0x80, s4, s1, $0xb8;
	[tilespmem:$0x1A600] =	vst v63  }
0x18a: {  	p1 =	sne.s32 s23, $0xC8  }
.Ltmp1:
0x18b: {  	_ = 	snop;
	(pc) =	sbr.rel @p1 .LBB2_2-.Ltmp1, $2  }
0x18c: {  	_ =	sdelay $0x2  }
0x18d: {  	p0 =	por !p0, !p0  }
0x18e: {  	s0 =	simm.s32 $0x5  }
0x18f: {  	_ =	swait.ge [sflag:s0], $0x2000  }
0x190: {  	[sflag:s0] =	ssyncset.done $0x0  }
0x191: {  	s1 =	simm.s32 $0x6;
	[sflag:s0] =	ssyncadd.s32 $0xFFFFE000  }
0x192: {  	_ =	swait.ge [sflag:s1], $0x2000  }
0x193: {  	s4 =	rddreg [dreg:$0x6]  }
0x194: {  	s31 =	rddreg [dreg:$0x5];
	s4 =	sadd.s32 $0x1, s4  }
0x195: {  	p0 =	sne.s32 s4, s31  }
.Ltmp2:
0x196: {  	_ = 	snop;
	(pc) =	sbr.rel @p0 .LBB2_1-.Ltmp2, $3  }
0x197: {  	_ =	sdelay $0x1  }
0x198: {  	[sflag:s1] =	ssyncset.done $0x0  }
0x199: {  	[sflag:s1] =	ssyncadd.s32 $0xFFFFE000  }
0x19a: {  	_ =	sfence.sel $0x180000  }
0x19b: {  	[bflag:$0x0] =	sbarrier.arrive $0xFFFF  }
0x19c: {  	_ =	strace $0x90000047  }
0x19d: {  	s0 =	stileid.u32;
	[bflag:$0x2] =	sbarrier.arrive $0xFFFF  }
0x19e: {  	p0 =	sne.s32 s0, $0x0;
	s0 =	rddreg [dreg:$0x3]  }
0x19f: {  	s0 =	sadd.s32 @!p0 $0x100000, s0  }
0x1a0: {  	[sflag:s0] =	ssyncadd.tile.s32 @!p0 $0x1;
	_ =	shalt  }
.Lfunc_end2:
_tile_overlayer_lowered:
.L_overlay_start_2:
0x1a1: {  	(tag) =	ssettag $0x2  }
0x1a2: {  	s0 =	rddreg [dreg:$0x0];
	s2 =	stileid.u32  }
0x1a3: {  	s1 =	rddreg [dreg:$0x1];
	p0 =	sne.s32 s2, $0x0  }
0x1a4: {  	s3 =	rddreg [dreg:$0x2];
	[bflag:$0x3] =	sbarrier.arrive $0xFFFF;
	s2 =	simm.s32 @!p0 $0x1C07  }
0x1a5: {  	[timem:s3], [sflag:s2] =	dma.local @!p0 [hbm:s0], s1  }
0x1a6: {  	s0 =	simm.s32 @!p0 $0x7  }
0x1a7: {  	_ =	swait.ge @!p0 [sflag:s0], s1  }
0x1a8: {  	s1 =	ssub.s32 @!p0 $0x0, s1;
	[sflag:s0] =	ssyncset.done @!p0 $0x0  }
0x1a9: {  	[sflag:s0] =	ssyncadd.s32 @!p0 s1  }
0x1aa: {  	[bflag:$0x3] =	sbarrier.arrive $0xFFFF  }
0x1ab: {  	_ =	shalt  }

</sc_bundles>
